<compile_context>
chip_gen: v7x
topology: tpu7x:2x2x1
jax: 0.10.2.dev20260603
libtpu: 0.0.44.dev20260713+nightly
codegen_flags: <defaults>
</compile_context>

<pallas_src>
import functools

import jax
import jax.numpy as jnp
from jax import lax
from jax.experimental import pallas as pl
from jax.experimental.pallas import tpu as pltpu
from jax.experimental.pallas import tpu_sc as plsc

EMB = 128
B = 4096
L = 50

NC = 2
NS = 16
NW = NC * NS

W = B // NW
NBUF = 5

_mesh = plsc.VectorSubcoreMesh(core_axis_name="c", subcore_axis_name="s")


@functools.partial(
    pl.kernel,
    mesh=_mesh,
    out_type=jax.ShapeDtypeStruct((L, B, EMB), jnp.float32),
    scratch_types=[
        pltpu.VMEM((L, W), jnp.int32),
        pltpu.VMEM((W, EMB), jnp.float32),
    ]
    + [pltpu.VMEM((W, EMB), jnp.float32) for _ in range(NBUF)]
    + [pltpu.SemaphoreType.DMA for _ in range(2 * NBUF)],
)
def _shifted_gather(xt_hbm, table_hbm, out_hbm, x_v, zbuf, *bufs_and_sems):
    bufs = bufs_and_sems[:NBUF]
    gsem = bufs_and_sems[NBUF : 2 * NBUF]
    osem = bufs_and_sems[2 * NBUF :]
    wid = lax.axis_index("s") * NC + lax.axis_index("c")
    col0 = wid * W
    idx_cp = pltpu.async_copy(xt_hbm.at[:, pl.ds(col0, W)], x_v, gsem[0])

    zeros16 = jnp.zeros((16,), jnp.float32)

    def zrow(r, carry):
        for k in range(EMB // 16):
            zbuf[r, pl.ds(k * 16, 16)] = zeros16
        return carry

    lax.fori_loop(0, W, zrow, 0)
    idx_cp.wait()

    def group(g, carry):
        for s in range(NBUF):
            c = g * NBUF + s

            @pl.when(g > 0)
            def _():
                pltpu.make_async_copy(
                    bufs[s], out_hbm.at[c, pl.ds(col0, W)], osem[s]
                ).wait()

            @pl.when(c < L - 1)
            def _():
                pltpu.async_copy(table_hbm.at[x_v.at[c + 1]], bufs[s], gsem[s])

        for s in range(NBUF):
            c = g * NBUF + s

            @pl.when(c < L - 1)
            def _():
                pltpu.make_async_copy(
                    table_hbm.at[x_v.at[c + 1]], bufs[s], gsem[s]
                ).wait()
                pltpu.async_copy(bufs[s], out_hbm.at[c, pl.ds(col0, W)], osem[s])

            @pl.when(c == L - 1)
            def _():
                pltpu.async_copy(zbuf, out_hbm.at[c, pl.ds(col0, W)], osem[s])
        return carry

    lax.fori_loop(0, L // NBUF, group, 0)
    for s in range(NBUF):
        c = L - NBUF + s
        src = zbuf if s == NBUF - 1 else bufs[s]
        pltpu.make_async_copy(src, out_hbm.at[c, pl.ds(col0, W)], osem[s]).wait()


def kernel(x, table):
    xt = x.astype(jnp.int32).T
    return _shifted_gather(xt, table).transpose(1, 0, 2)

# --- scband reference (transcript-rebuilt; emitter-appended) ---
"""Pipeline reference for scband-shifted-embedding-16922171146697 (READ-ONLY COPY).

The authoritative reference and input builder live on the scoring server;
editing this copy changes nothing except your own understanding.
"""

import jax, jax.numpy as jnp
import numpy as np

VOCAB = 100000
EMB = 128
B = 4096
L = 50

def setup_inputs(seed: int = 0) -> dict:
    key = jax.random.key(seed)
    k_idx, k_tab = jax.random.split(key)
    x = jax.random.randint(k_idx, (B, L), 0, VOCAB, dtype=jnp.int64 if jax.config.jax_enable_x64 else jnp.int32)
    table = jax.random.normal(k_tab, (VOCAB, EMB), dtype=jnp.float32)
    return {"x": x, "table": table}

def reference(x, table):
    # embedding lookup
    emb = jnp.take(table, x, axis=0)  # [B, L, EMB]
    # shifted: drop first position along dim=1, append zeros at the end
    out = jnp.concatenate([emb[:, 1:], jnp.zeros_like(emb[:, :1])], axis=1)
    return out

if __name__ == "__main__":
    import jax
    _d = setup_inputs()
    print(jax.jit(kernel)(*tuple(_d.values())))

</pallas_src>

<mosaic_0001>
#map = affine_map<(d0, d1) -> (0, 0)>
#map1 = affine_map<(d0, d1) -> (0, 0, 0)>
module attributes {stable_mosaic.version = 14 : i64} {
  func.func @_shifted_gather(%arg0: i32, %arg1: i32, %arg2: memref<50x4096xi32, #tpu.memory_space<hbm>>, %arg3: memref<100000x128xf32, #tpu.memory_space<hbm>>, %arg4: memref<50x4096x128xf32, #tpu.memory_space<hbm>>, %arg5: memref<50x128xi32, #tpu.memory_space<vmem>>, %arg6: memref<128x128xf32, #tpu.memory_space<vmem>>, %arg7: memref<128x128xf32, #tpu.memory_space<vmem>>, %arg8: memref<128x128xf32, #tpu.memory_space<vmem>>, %arg9: memref<128x128xf32, #tpu.memory_space<vmem>>, %arg10: memref<128x128xf32, #tpu.memory_space<vmem>>, %arg11: memref<128x128xf32, #tpu.memory_space<vmem>>, %arg12: memref<!tpu.dma_semaphore, #tpu.memory_space<semaphore_mem>>, %arg13: memref<!tpu.dma_semaphore, #tpu.memory_space<semaphore_mem>>, %arg14: memref<!tpu.dma_semaphore, #tpu.memory_space<semaphore_mem>>, %arg15: memref<!tpu.dma_semaphore, #tpu.memory_space<semaphore_mem>>, %arg16: memref<!tpu.dma_semaphore, #tpu.memory_space<semaphore_mem>>, %arg17: memref<!tpu.dma_semaphore, #tpu.memory_space<semaphore_mem>>, %arg18: memref<!tpu.dma_semaphore, #tpu.memory_space<semaphore_mem>>, %arg19: memref<!tpu.dma_semaphore, #tpu.memory_space<semaphore_mem>>, %arg20: memref<!tpu.dma_semaphore, #tpu.memory_space<semaphore_mem>>, %arg21: memref<!tpu.dma_semaphore, #tpu.memory_space<semaphore_mem>>) attributes {dimension_semantics = [#tpu.dimension_semantics<core_parallel>, #tpu.dimension_semantics<subcore_parallel>], iteration_bounds = array<i64: 2, 16>, scalar_prefetch = 0 : i64, scratch_operands = 17 : i64, tpu.core_type = #tpu.core_type<sc_vector_subcore>, window_params = [{transform_indices = #map}, {transform_indices = #map}, {transform_indices = #map1}]} {
    %mul3A = arith.constant 2 : i32
    %mul3A_0 = arith.muli %arg1, %mul3A : i32
    %add3A = arith.addi %mul3A_0, %arg0 : i32
    %mul3A_1 = arith.constant 128 : i32
    %mul3A_2 = arith.muli %add3A, %mul3A_1 : i32
    %dma_start3A = arith.constant 0 : i32
    %dma_start3A_3 = tpu.memref_slice %arg2[%dma_start3A, %mul3A_2] : memref<50x4096xi32, #tpu.memory_space<hbm>> -> memref<50x128xi32, #tpu.memory_space<hbm>>
    %dma_start3A_4 = arith.constant 0 : i32
    %dma_start3A_5 = tpu.memref_slice %arg2[%dma_start3A_4, %mul3A_2] : memref<50x4096xi32, #tpu.memory_space<hbm>> -> memref<50x128xi32, #tpu.memory_space<hbm>>
    tpu.enqueue_dma source(%dma_start3A_5 : memref<50x128xi32, #tpu.memory_space<hbm>>) target(%arg5 : memref<50x128xi32, #tpu.memory_space<vmem>>) target_semaphore(%arg12 : memref<!tpu.dma_semaphore, #tpu.memory_space<semaphore_mem>>)
    %broadcast_in_dim3A = arith.constant 0.000000e+00 : f32
    %broadcast_in_dim3A_6 = vector.broadcast %broadcast_in_dim3A : f32 to vector<16xf32>
    %scan3A = arith.constant 0 : i32
    %scan3A_7 = arith.constant 0 : i32
    %scan3A_8 = arith.constant 128 : i32
    %scan3A_9 = arith.addi %scan3A_7, %scan3A_8 : i32
    %scan3A_10 = arith.constant 1 : i32
    scf.for %scan3A_56 = %scan3A_7 to %scan3A_9 step %scan3A_10  : i32 {
      %swap3A = arith.index_cast %scan3A_56 : i32 to index
      %swap3A_57 = arith.constant 0 : index
      %swap3A_58 = tpu.vector_load %arg6[%swap3A, %swap3A_57] {strides = array<i32>} : memref<128x128xf32, #tpu.memory_space<vmem>>, vector<1x16xf32>,
      %swap3A_59 = vector.shape_cast %swap3A_58 : vector<1x16xf32> to vector<16xf32>
      %swap3A_60 = vector.shape_cast %broadcast_in_dim3A_6 : vector<16xf32> to vector<1x16xf32>
      tpu.vector_store %arg6[%swap3A, %swap3A_57], %swap3A_60 {strides = array<i32>} : memref<128x128xf32, #tpu.memory_space<vmem>>, vector<1x16xf32>,
      %swap3A_61 = arith.index_cast %scan3A_56 : i32 to index
      %swap3A_62 = arith.constant 16 : index
      %swap3A_63 = tpu.vector_load %arg6[%swap3A_61, %swap3A_62] {strides = array<i32>} : memref<128x128xf32, #tpu.memory_space<vmem>>, vector<1x16xf32>,
      %swap3A_64 = vector.shape_cast %swap3A_63 : vector<1x16xf32> to vector<16xf32>
      %swap3A_65 = vector.shape_cast %broadcast_in_dim3A_6 : vector<16xf32> to vector<1x16xf32>
      tpu.vector_store %arg6[%swap3A_61, %swap3A_62], %swap3A_65 {strides = array<i32>} : memref<128x128xf32, #tpu.memory_space<vmem>>, vector<1x16xf32>,
      %swap3A_66 = arith.index_cast %scan3A_56 : i32 to index
      %swap3A_67 = arith.constant 32 : index
      %swap3A_68 = tpu.vector_load %arg6[%swap3A_66, %swap3A_67] {strides = array<i32>} : memref<128x128xf32, #tpu.memory_space<vmem>>, vector<1x16xf32>,
      %swap3A_69 = vector.shape_cast %swap3A_68 : vector<1x16xf32> to vector<16xf32>
      %swap3A_70 = vector.shape_cast %broadcast_in_dim3A_6 : vector<16xf32> to vector<1x16xf32>
      tpu.vector_store %arg6[%swap3A_66, %swap3A_67], %swap3A_70 {strides = array<i32>} : memref<128x128xf32, #tpu.memory_space<vmem>>, vector<1x16xf32>,
      %swap3A_71 = arith.index_cast %scan3A_56 : i32 to index
      %swap3A_72 = arith.constant 48 : index
      %swap3A_73 = tpu.vector_load %arg6[%swap3A_71, %swap3A_72] {strides = array<i32>} : memref<128x128xf32, #tpu.memory_space<vmem>>, vector<1x16xf32>,
      %swap3A_74 = vector.shape_cast %swap3A_73 : vector<1x16xf32> to vector<16xf32>
      %swap3A_75 = vector.shape_cast %broadcast_in_dim3A_6 : vector<16xf32> to vector<1x16xf32>
      tpu.vector_store %arg6[%swap3A_71, %swap3A_72], %swap3A_75 {strides = array<i32>} : memref<128x128xf32, #tpu.memory_space<vmem>>, vector<1x16xf32>,
      %swap3A_76 = arith.index_cast %scan3A_56 : i32 to index
      %swap3A_77 = arith.constant 64 : index
      %swap3A_78 = tpu.vector_load %arg6[%swap3A_76, %swap3A_77] {strides = array<i32>} : memref<128x128xf32, #tpu.memory_space<vmem>>, vector<1x16xf32>,
      %swap3A_79 = vector.shape_cast %swap3A_78 : vector<1x16xf32> to vector<16xf32>
      %swap3A_80 = vector.shape_cast %broadcast_in_dim3A_6 : vector<16xf32> to vector<1x16xf32>
      tpu.vector_store %arg6[%swap3A_76, %swap3A_77], %swap3A_80 {strides = array<i32>} : memref<128x128xf32, #tpu.memory_space<vmem>>, vector<1x16xf32>,
      %swap3A_81 = arith.index_cast %scan3A_56 : i32 to index
      %swap3A_82 = arith.constant 80 : index
      %swap3A_83 = tpu.vector_load %arg6[%swap3A_81, %swap3A_82] {strides = array<i32>} : memref<128x128xf32, #tpu.memory_space<vmem>>, vector<1x16xf32>,
      %swap3A_84 = vector.shape_cast %swap3A_83 : vector<1x16xf32> to vector<16xf32>
      %swap3A_85 = vector.shape_cast %broadcast_in_dim3A_6 : vector<16xf32> to vector<1x16xf32>
      tpu.vector_store %arg6[%swap3A_81, %swap3A_82], %swap3A_85 {strides = array<i32>} : memref<128x128xf32, #tpu.memory_space<vmem>>, vector<1x16xf32>,
      %swap3A_86 = arith.index_cast %scan3A_56 : i32 to index
      %swap3A_87 = arith.constant 96 : index
      %swap3A_88 = tpu.vector_load %arg6[%swap3A_86, %swap3A_87] {strides = array<i32>} : memref<128x128xf32, #tpu.memory_space<vmem>>, vector<1x16xf32>,
      %swap3A_89 = vector.shape_cast %swap3A_88 : vector<1x16xf32> to vector<16xf32>
      %swap3A_90 = vector.shape_cast %broadcast_in_dim3A_6 : vector<16xf32> to vector<1x16xf32>
      tpu.vector_store %arg6[%swap3A_86, %swap3A_87], %swap3A_90 {strides = array<i32>} : memref<128x128xf32, #tpu.memory_space<vmem>>, vector<1x16xf32>,
      %swap3A_91 = arith.index_cast %scan3A_56 : i32 to index
      %swap3A_92 = arith.constant 112 : index
      %swap3A_93 = tpu.vector_load %arg6[%swap3A_91, %swap3A_92] {strides = array<i32>} : memref<128x128xf32, #tpu.memory_space<vmem>>, vector<1x16xf32>,
      %swap3A_94 = vector.shape_cast %swap3A_93 : vector<1x16xf32> to vector<16xf32>
      %swap3A_95 = vector.shape_cast %broadcast_in_dim3A_6 : vector<16xf32> to vector<1x16xf32>
      tpu.vector_store %arg6[%swap3A_91, %swap3A_92], %swap3A_95 {strides = array<i32>} : memref<128x128xf32, #tpu.memory_space<vmem>>, vector<1x16xf32>,
    }
    %scan3A_11 = arith.constant 128 : i32
    %dma_wait3A = arith.constant 0 : i32
    %dma_wait3A_12 = tpu.memref_slice %arg2[%dma_wait3A, %mul3A_2] : memref<50x4096xi32, #tpu.memory_space<hbm>> -> memref<50x128xi32, #tpu.memory_space<hbm>>
    %dma_wait3A_13 = arith.constant 0 : i32
    %dma_wait3A_14 = tpu.memref_slice %arg2[%dma_wait3A_13, %mul3A_2] : memref<50x4096xi32, #tpu.memory_space<hbm>> -> memref<50x128xi32, #tpu.memory_space<hbm>>
    tpu.wait_dma2 semaphore(%arg12 : memref<!tpu.dma_semaphore, #tpu.memory_space<semaphore_mem>>) src(%dma_wait3A_14 : memref<50x128xi32, #tpu.memory_space<hbm>>) dst(%arg5 : memref<50x128xi32, #tpu.memory_space<vmem>>)
    %scan3A_15 = arith.constant 0 : i32
    %scan3A_16 = arith.constant 0 : i32
    %scan3A_17 = arith.constant 10 : i32
    %scan3A_18 = arith.addi %scan3A_16, %scan3A_17 : i32
    %scan3A_19 = arith.constant 1 : i32
    scf.for %scan3A_56 = %scan3A_16 to %scan3A_18 step %scan3A_19  : i32 {
      %mul3A_57 = arith.constant 5 : i32
      %mul3A_58 = arith.muli %scan3A_56, %mul3A_57 : i32
      %add3A_59 = arith.constant 0 : i32
      %add3A_60 = arith.addi %mul3A_58, %add3A_59 : i32
      %gt3A = arith.constant 0 : i32
      %gt3A_61 = arith.cmpi sgt, %scan3A_56, %gt3A : i32
      %convert_element_type3A = arith.extui %gt3A_61 : i1 to i32
      %cond3A = arith.constant 0 : i32
      %cond3A_62 = arith.cmpi ne, %convert_element_type3A, %cond3A : i32
      scf.if %cond3A_62 {
        %dma_wait3A_192 = arith.constant 0 : i32
        %dma_wait3A_193 = tpu.memref_slice %arg4[%add3A_60, %mul3A_2, %dma_wait3A_192] : memref<50x4096x128xf32, #tpu.memory_space<hbm>> -> memref<1x128x128xf32, #tpu.memory_space<hbm>>
        %dma_wait3A_194 = tpu.memref_squeeze %dma_wait3A_193 : memref<1x128x128xf32, #tpu.memory_space<hbm>> -> memref<128x128xf32, #tpu.memory_space<hbm>>
        %dma_wait3A_195 = arith.constant 0 : i32
        %dma_wait3A_196 = tpu.memref_slice %arg4[%add3A_60, %mul3A_2, %dma_wait3A_195] : memref<50x4096x128xf32, #tpu.memory_space<hbm>> -> memref<1x128x128xf32, #tpu.memory_space<hbm>>
        %dma_wait3A_197 = tpu.memref_squeeze %dma_wait3A_196 : memref<1x128x128xf32, #tpu.memory_space<hbm>> -> memref<128x128xf32, #tpu.memory_space<hbm>>
        tpu.wait_dma2 semaphore(%arg17 : memref<!tpu.dma_semaphore, #tpu.memory_space<semaphore_mem>>) src(%arg7 : memref<128x128xf32, #tpu.memory_space<vmem>>) dst(%dma_wait3A_197 : memref<128x128xf32, #tpu.memory_space<hbm>>)
      } else {
      }
      %lt3A = arith.constant 49 : i32
      %lt3A_63 = arith.cmpi slt, %add3A_60, %lt3A : i32
      %convert_element_type3A_64 = arith.extui %lt3A_63 : i1 to i32
      %cond3A_65 = arith.constant 0 : i32
      %cond3A_66 = arith.cmpi ne, %convert_element_type3A_64, %cond3A_65 : i32
      scf.if %cond3A_66 {
        %add3A_192 = arith.constant 1 : i32
        %add3A_193 = arith.addi %add3A_60, %add3A_192 : i32
        %dma_start3A_194 = arith.constant 0 : i32
        %dma_start3A_195 = tpu.memref_slice %arg5[%add3A_193, %dma_start3A_194] : memref<50x128xi32, #tpu.memory_space<vmem>> -> memref<1x128xi32, #tpu.memory_space<vmem>>
        %dma_start3A_196 = tpu.memref_squeeze %dma_start3A_195 : memref<1x128xi32, #tpu.memory_space<vmem>> -> memref<128xi32, #tpu.memory_space<vmem>>
        %dma_start3A_197 = arith.constant 0 : i32
        %dma_start3A_198 = arith.constant 0 : i32
        %dma_start3A_199 = tpu.memref_slice %arg3[%dma_start3A_197, %dma_start3A_198] : memref<100000x128xf32, #tpu.memory_space<hbm>> -> memref<100000x128xf32, #tpu.memory_space<hbm>>
        tpu.enqueue_indirect_dma source(%dma_start3A_199 : memref<100000x128xf32, #tpu.memory_space<hbm>>) target(%arg7 : memref<128x128xf32, #tpu.memory_space<vmem>>) offsets(%dma_start3A_196 : memref<128xi32, #tpu.memory_space<vmem>>) semaphore(%arg12 : memref<!tpu.dma_semaphore, #tpu.memory_space<semaphore_mem>>)
      } else {
      }
      %mul3A_67 = arith.constant 5 : i32
      %mul3A_68 = arith.muli %scan3A_56, %mul3A_67 : i32
      %add3A_69 = arith.constant 1 : i32
      %add3A_70 = arith.addi %mul3A_68, %add3A_69 : i32
      %gt3A_71 = arith.constant 0 : i32
      %gt3A_72 = arith.cmpi sgt, %scan3A_56, %gt3A_71 : i32
      %convert_element_type3A_73 = arith.extui %gt3A_72 : i1 to i32
      %cond3A_74 = arith.constant 0 : i32
      %cond3A_75 = arith.cmpi ne, %convert_element_type3A_73, %cond3A_74 : i32
      scf.if %cond3A_75 {
        %dma_wait3A_192 = arith.constant 0 : i32
        %dma_wait3A_193 = tpu.memref_slice %arg4[%add3A_70, %mul3A_2, %dma_wait3A_192] : memref<50x4096x128xf32, #tpu.memory_space<hbm>> -> memref<1x128x128xf32, #tpu.memory_space<hbm>>
        %dma_wait3A_194 = tpu.memref_squeeze %dma_wait3A_193 : memref<1x128x128xf32, #tpu.memory_space<hbm>> -> memref<128x128xf32, #tpu.memory_space<hbm>>
        %dma_wait3A_195 = arith.constant 0 : i32
        %dma_wait3A_196 = tpu.memref_slice %arg4[%add3A_70, %mul3A_2, %dma_wait3A_195] : memref<50x4096x128xf32, #tpu.memory_space<hbm>> -> memref<1x128x128xf32, #tpu.memory_space<hbm>>
        %dma_wait3A_197 = tpu.memref_squeeze %dma_wait3A_196 : memref<1x128x128xf32, #tpu.memory_space<hbm>> -> memref<128x128xf32, #tpu.memory_space<hbm>>
        tpu.wait_dma2 semaphore(%arg18 : memref<!tpu.dma_semaphore, #tpu.memory_space<semaphore_mem>>) src(%arg8 : memref<128x128xf32, #tpu.memory_space<vmem>>) dst(%dma_wait3A_197 : memref<128x128xf32, #tpu.memory_space<hbm>>)
      } else {
      }
      %lt3A_76 = arith.constant 49 : i32
      %lt3A_77 = arith.cmpi slt, %add3A_70, %lt3A_76 : i32
      %convert_element_type3A_78 = arith.extui %lt3A_77 : i1 to i32
      %cond3A_79 = arith.constant 0 : i32
      %cond3A_80 = arith.cmpi ne, %convert_element_type3A_78, %cond3A_79 : i32
      scf.if %cond3A_80 {
        %add3A_192 = arith.constant 1 : i32
        %add3A_193 = arith.addi %add3A_70, %add3A_192 : i32
        %dma_start3A_194 = arith.constant 0 : i32
        %dma_start3A_195 = tpu.memref_slice %arg5[%add3A_193, %dma_start3A_194] : memref<50x128xi32, #tpu.memory_space<vmem>> -> memref<1x128xi32, #tpu.memory_space<vmem>>
        %dma_start3A_196 = tpu.memref_squeeze %dma_start3A_195 : memref<1x128xi32, #tpu.memory_space<vmem>> -> memref<128xi32, #tpu.memory_space<vmem>>
        %dma_start3A_197 = arith.constant 0 : i32
        %dma_start3A_198 = arith.constant 0 : i32
        %dma_start3A_199 = tpu.memref_slice %arg3[%dma_start3A_197, %dma_start3A_198] : memref<100000x128xf32, #tpu.memory_space<hbm>> -> memref<100000x128xf32, #tpu.memory_space<hbm>>
        tpu.enqueue_indirect_dma source(%dma_start3A_199 : memref<100000x128xf32, #tpu.memory_space<hbm>>) target(%arg8 : memref<128x128xf32, #tpu.memory_space<vmem>>) offsets(%dma_start3A_196 : memref<128xi32, #tpu.memory_space<vmem>>) semaphore(%arg13 : memref<!tpu.dma_semaphore, #tpu.memory_space<semaphore_mem>>)
      } else {
      }
      %mul3A_81 = arith.constant 5 : i32
      %mul3A_82 = arith.muli %scan3A_56, %mul3A_81 : i32
      %add3A_83 = arith.constant 2 : i32
      %add3A_84 = arith.addi %mul3A_82, %add3A_83 : i32
      %gt3A_85 = arith.constant 0 : i32
      %gt3A_86 = arith.cmpi sgt, %scan3A_56, %gt3A_85 : i32
      %convert_element_type3A_87 = arith.extui %gt3A_86 : i1 to i32
      %cond3A_88 = arith.constant 0 : i32
      %cond3A_89 = arith.cmpi ne, %convert_element_type3A_87, %cond3A_88 : i32
      scf.if %cond3A_89 {
        %dma_wait3A_192 = arith.constant 0 : i32
        %dma_wait3A_193 = tpu.memref_slice %arg4[%add3A_84, %mul3A_2, %dma_wait3A_192] : memref<50x4096x128xf32, #tpu.memory_space<hbm>> -> memref<1x128x128xf32, #tpu.memory_space<hbm>>
        %dma_wait3A_194 = tpu.memref_squeeze %dma_wait3A_193 : memref<1x128x128xf32, #tpu.memory_space<hbm>> -> memref<128x128xf32, #tpu.memory_space<hbm>>
        %dma_wait3A_195 = arith.constant 0 : i32
        %dma_wait3A_196 = tpu.memref_slice %arg4[%add3A_84, %mul3A_2, %dma_wait3A_195] : memref<50x4096x128xf32, #tpu.memory_space<hbm>> -> memref<1x128x128xf32, #tpu.memory_space<hbm>>
        %dma_wait3A_197 = tpu.memref_squeeze %dma_wait3A_196 : memref<1x128x128xf32, #tpu.memory_space<hbm>> -> memref<128x128xf32, #tpu.memory_space<hbm>>
        tpu.wait_dma2 semaphore(%arg19 : memref<!tpu.dma_semaphore, #tpu.memory_space<semaphore_mem>>) src(%arg9 : memref<128x128xf32, #tpu.memory_space<vmem>>) dst(%dma_wait3A_197 : memref<128x128xf32, #tpu.memory_space<hbm>>)
      } else {
      }
      %lt3A_90 = arith.constant 49 : i32
      %lt3A_91 = arith.cmpi slt, %add3A_84, %lt3A_90 : i32
      %convert_element_type3A_92 = arith.extui %lt3A_91 : i1 to i32
      %cond3A_93 = arith.constant 0 : i32
      %cond3A_94 = arith.cmpi ne, %convert_element_type3A_92, %cond3A_93 : i32
      scf.if %cond3A_94 {
        %add3A_192 = arith.constant 1 : i32
        %add3A_193 = arith.addi %add3A_84, %add3A_192 : i32
        %dma_start3A_194 = arith.constant 0 : i32
        %dma_start3A_195 = tpu.memref_slice %arg5[%add3A_193, %dma_start3A_194] : memref<50x128xi32, #tpu.memory_space<vmem>> -> memref<1x128xi32, #tpu.memory_space<vmem>>
        %dma_start3A_196 = tpu.memref_squeeze %dma_start3A_195 : memref<1x128xi32, #tpu.memory_space<vmem>> -> memref<128xi32, #tpu.memory_space<vmem>>
        %dma_start3A_197 = arith.constant 0 : i32
        %dma_start3A_198 = arith.constant 0 : i32
        %dma_start3A_199 = tpu.memref_slice %arg3[%dma_start3A_197, %dma_start3A_198] : memref<100000x128xf32, #tpu.memory_space<hbm>> -> memref<100000x128xf32, #tpu.memory_space<hbm>>
        tpu.enqueue_indirect_dma source(%dma_start3A_199 : memref<100000x128xf32, #tpu.memory_space<hbm>>) target(%arg9 : memref<128x128xf32, #tpu.memory_space<vmem>>) offsets(%dma_start3A_196 : memref<128xi32, #tpu.memory_space<vmem>>) semaphore(%arg14 : memref<!tpu.dma_semaphore, #tpu.memory_space<semaphore_mem>>)
      } else {
      }
      %mul3A_95 = arith.constant 5 : i32
      %mul3A_96 = arith.muli %scan3A_56, %mul3A_95 : i32
      %add3A_97 = arith.constant 3 : i32
      %add3A_98 = arith.addi %mul3A_96, %add3A_97 : i32
      %gt3A_99 = arith.constant 0 : i32
      %gt3A_100 = arith.cmpi sgt, %scan3A_56, %gt3A_99 : i32
      %convert_element_type3A_101 = arith.extui %gt3A_100 : i1 to i32
      %cond3A_102 = arith.constant 0 : i32
      %cond3A_103 = arith.cmpi ne, %convert_element_type3A_101, %cond3A_102 : i32
      scf.if %cond3A_103 {
        %dma_wait3A_192 = arith.constant 0 : i32
        %dma_wait3A_193 = tpu.memref_slice %arg4[%add3A_98, %mul3A_2, %dma_wait3A_192] : memref<50x4096x128xf32, #tpu.memory_space<hbm>> -> memref<1x128x128xf32, #tpu.memory_space<hbm>>
        %dma_wait3A_194 = tpu.memref_squeeze %dma_wait3A_193 : memref<1x128x128xf32, #tpu.memory_space<hbm>> -> memref<128x128xf32, #tpu.memory_space<hbm>>
        %dma_wait3A_195 = arith.constant 0 : i32
        %dma_wait3A_196 = tpu.memref_slice %arg4[%add3A_98, %mul3A_2, %dma_wait3A_195] : memref<50x4096x128xf32, #tpu.memory_space<hbm>> -> memref<1x128x128xf32, #tpu.memory_space<hbm>>
        %dma_wait3A_197 = tpu.memref_squeeze %dma_wait3A_196 : memref<1x128x128xf32, #tpu.memory_space<hbm>> -> memref<128x128xf32, #tpu.memory_space<hbm>>
        tpu.wait_dma2 semaphore(%arg20 : memref<!tpu.dma_semaphore, #tpu.memory_space<semaphore_mem>>) src(%arg10 : memref<128x128xf32, #tpu.memory_space<vmem>>) dst(%dma_wait3A_197 : memref<128x128xf32, #tpu.memory_space<hbm>>)
      } else {
      }
      %lt3A_104 = arith.constant 49 : i32
      %lt3A_105 = arith.cmpi slt, %add3A_98, %lt3A_104 : i32
      %convert_element_type3A_106 = arith.extui %lt3A_105 : i1 to i32
      %cond3A_107 = arith.constant 0 : i32
      %cond3A_108 = arith.cmpi ne, %convert_element_type3A_106, %cond3A_107 : i32
      scf.if %cond3A_108 {
        %add3A_192 = arith.constant 1 : i32
        %add3A_193 = arith.addi %add3A_98, %add3A_192 : i32
        %dma_start3A_194 = arith.constant 0 : i32
        %dma_start3A_195 = tpu.memref_slice %arg5[%add3A_193, %dma_start3A_194] : memref<50x128xi32, #tpu.memory_space<vmem>> -> memref<1x128xi32, #tpu.memory_space<vmem>>
        %dma_start3A_196 = tpu.memref_squeeze %dma_start3A_195 : memref<1x128xi32, #tpu.memory_space<vmem>> -> memref<128xi32, #tpu.memory_space<vmem>>
        %dma_start3A_197 = arith.constant 0 : i32
        %dma_start3A_198 = arith.constant 0 : i32
        %dma_start3A_199 = tpu.memref_slice %arg3[%dma_start3A_197, %dma_start3A_198] : memref<100000x128xf32, #tpu.memory_space<hbm>> -> memref<100000x128xf32, #tpu.memory_space<hbm>>
        tpu.enqueue_indirect_dma source(%dma_start3A_199 : memref<100000x128xf32, #tpu.memory_space<hbm>>) target(%arg10 : memref<128x128xf32, #tpu.memory_space<vmem>>) offsets(%dma_start3A_196 : memref<128xi32, #tpu.memory_space<vmem>>) semaphore(%arg15 : memref<!tpu.dma_semaphore, #tpu.memory_space<semaphore_mem>>)
      } else {
      }
      %mul3A_109 = arith.constant 5 : i32
      %mul3A_110 = arith.muli %scan3A_56, %mul3A_109 : i32
      %add3A_111 = arith.constant 4 : i32
      %add3A_112 = arith.addi %mul3A_110, %add3A_111 : i32
      %gt3A_113 = arith.constant 0 : i32
      %gt3A_114 = arith.cmpi sgt, %scan3A_56, %gt3A_113 : i32
      %convert_element_type3A_115 = arith.extui %gt3A_114 : i1 to i32
      %cond3A_116 = arith.constant 0 : i32
      %cond3A_117 = arith.cmpi ne, %convert_element_type3A_115, %cond3A_116 : i32
      scf.if %cond3A_117 {
        %dma_wait3A_192 = arith.constant 0 : i32
        %dma_wait3A_193 = tpu.memref_slice %arg4[%add3A_112, %mul3A_2, %dma_wait3A_192] : memref<50x4096x128xf32, #tpu.memory_space<hbm>> -> memref<1x128x128xf32, #tpu.memory_space<hbm>>
        %dma_wait3A_194 = tpu.memref_squeeze %dma_wait3A_193 : memref<1x128x128xf32, #tpu.memory_space<hbm>> -> memref<128x128xf32, #tpu.memory_space<hbm>>
        %dma_wait3A_195 = arith.constant 0 : i32
        %dma_wait3A_196 = tpu.memref_slice %arg4[%add3A_112, %mul3A_2, %dma_wait3A_195] : memref<50x4096x128xf32, #tpu.memory_space<hbm>> -> memref<1x128x128xf32, #tpu.memory_space<hbm>>
        %dma_wait3A_197 = tpu.memref_squeeze %dma_wait3A_196 : memref<1x128x128xf32, #tpu.memory_space<hbm>> -> memref<128x128xf32, #tpu.memory_space<hbm>>
        tpu.wait_dma2 semaphore(%arg21 : memref<!tpu.dma_semaphore, #tpu.memory_space<semaphore_mem>>) src(%arg11 : memref<128x128xf32, #tpu.memory_space<vmem>>) dst(%dma_wait3A_197 : memref<128x128xf32, #tpu.memory_space<hbm>>)
      } else {
      }
      %lt3A_118 = arith.constant 49 : i32
      %lt3A_119 = arith.cmpi slt, %add3A_112, %lt3A_118 : i32
      %convert_element_type3A_120 = arith.extui %lt3A_119 : i1 to i32
      %cond3A_121 = arith.constant 0 : i32
      %cond3A_122 = arith.cmpi ne, %convert_element_type3A_120, %cond3A_121 : i32
      scf.if %cond3A_122 {
        %add3A_192 = arith.constant 1 : i32
        %add3A_193 = arith.addi %add3A_112, %add3A_192 : i32
        %dma_start3A_194 = arith.constant 0 : i32
        %dma_start3A_195 = tpu.memref_slice %arg5[%add3A_193, %dma_start3A_194] : memref<50x128xi32, #tpu.memory_space<vmem>> -> memref<1x128xi32, #tpu.memory_space<vmem>>
        %dma_start3A_196 = tpu.memref_squeeze %dma_start3A_195 : memref<1x128xi32, #tpu.memory_space<vmem>> -> memref<128xi32, #tpu.memory_space<vmem>>
        %dma_start3A_197 = arith.constant 0 : i32
        %dma_start3A_198 = arith.constant 0 : i32
        %dma_start3A_199 = tpu.memref_slice %arg3[%dma_start3A_197, %dma_start3A_198] : memref<100000x128xf32, #tpu.memory_space<hbm>> -> memref<100000x128xf32, #tpu.memory_space<hbm>>
        tpu.enqueue_indirect_dma source(%dma_start3A_199 : memref<100000x128xf32, #tpu.memory_space<hbm>>) target(%arg11 : memref<128x128xf32, #tpu.memory_space<vmem>>) offsets(%dma_start3A_196 : memref<128xi32, #tpu.memory_space<vmem>>) semaphore(%arg16 : memref<!tpu.dma_semaphore, #tpu.memory_space<semaphore_mem>>)
      } else {
      }
      %mul3A_123 = arith.constant 5 : i32
      %mul3A_124 = arith.muli %scan3A_56, %mul3A_123 : i32
      %add3A_125 = arith.constant 0 : i32
      %add3A_126 = arith.addi %mul3A_124, %add3A_125 : i32
      %lt3A_127 = arith.constant 49 : i32
      %lt3A_128 = arith.cmpi slt, %add3A_126, %lt3A_127 : i32
      %convert_element_type3A_129 = arith.extui %lt3A_128 : i1 to i32
      %cond3A_130 = arith.constant 0 : i32
      %cond3A_131 = arith.cmpi ne, %convert_element_type3A_129, %cond3A_130 : i32
      scf.if %cond3A_131 {
        %add3A_192 = arith.constant 1 : i32
        %add3A_193 = arith.addi %add3A_126, %add3A_192 : i32
        %dma_wait3A_194 = arith.constant 0 : i32
        %dma_wait3A_195 = tpu.memref_slice %arg5[%add3A_193, %dma_wait3A_194] : memref<50x128xi32, #tpu.memory_space<vmem>> -> memref<1x128xi32, #tpu.memory_space<vmem>>
        %dma_wait3A_196 = tpu.memref_squeeze %dma_wait3A_195 : memref<1x128xi32, #tpu.memory_space<vmem>> -> memref<128xi32, #tpu.memory_space<vmem>>
        %dma_wait3A_197 = arith.constant 0 : i32
        %dma_wait3A_198 = arith.constant 0 : i32
        %dma_wait3A_199 = tpu.memref_slice %arg3[%dma_wait3A_197, %dma_wait3A_198] : memref<100000x128xf32, #tpu.memory_space<hbm>> -> memref<100000x128xf32, #tpu.memory_space<hbm>>
        tpu.wait_indirect_dma semaphore(%arg12 : memref<!tpu.dma_semaphore, #tpu.memory_space<semaphore_mem>>) src(%dma_wait3A_199 : memref<100000x128xf32, #tpu.memory_space<hbm>>) dst(%arg7 : memref<128x128xf32, #tpu.memory_space<vmem>>)
        %dma_start3A_200 = arith.constant 0 : i32
        %dma_start3A_201 = tpu.memref_slice %arg4[%add3A_126, %mul3A_2, %dma_start3A_200] : memref<50x4096x128xf32, #tpu.memory_space<hbm>> -> memref<1x128x128xf32, #tpu.memory_space<hbm>>
        %dma_start3A_202 = tpu.memref_squeeze %dma_start3A_201 : memref<1x128x128xf32, #tpu.memory_space<hbm>> -> memref<128x128xf32, #tpu.memory_space<hbm>>
        %dma_start3A_203 = arith.constant 0 : i32
        %dma_start3A_204 = tpu.memref_slice %arg4[%add3A_126, %mul3A_2, %dma_start3A_203] : memref<50x4096x128xf32, #tpu.memory_space<hbm>> -> memref<1x128x128xf32, #tpu.memory_space<hbm>>
        %dma_start3A_205 = tpu.memref_squeeze %dma_start3A_204 : memref<1x128x128xf32, #tpu.memory_space<hbm>> -> memref<128x128xf32, #tpu.memory_space<hbm>>
        tpu.enqueue_dma source(%arg7 : memref<128x128xf32, #tpu.memory_space<vmem>>) target(%dma_start3A_205 : memref<128x128xf32, #tpu.memory_space<hbm>>) target_semaphore(%arg17 : memref<!tpu.dma_semaphore, #tpu.memory_space<semaphore_mem>>)
      } else {
      }
      %eq3A = arith.constant 49 : i32
      %eq3A_132 = arith.cmpi eq, %add3A_126, %eq3A : i32
      %convert_element_type3A_133 = arith.extui %eq3A_132 : i1 to i32
      %cond3A_134 = arith.constant 0 : i32
      %cond3A_135 = arith.cmpi ne, %convert_element_type3A_133, %cond3A_134 : i32
      scf.if %cond3A_135 {
        %dma_start3A_192 = arith.constant 0 : i32
        %dma_start3A_193 = tpu.memref_slice %arg4[%add3A_126, %mul3A_2, %dma_start3A_192] : memref<50x4096x128xf32, #tpu.memory_space<hbm>> -> memref<1x128x128xf32, #tpu.memory_space<hbm>>
        %dma_start3A_194 = tpu.memref_squeeze %dma_start3A_193 : memref<1x128x128xf32, #tpu.memory_space<hbm>> -> memref<128x128xf32, #tpu.memory_space<hbm>>
        %dma_start3A_195 = arith.constant 0 : i32
        %dma_start3A_196 = tpu.memref_slice %arg4[%add3A_126, %mul3A_2, %dma_start3A_195] : memref<50x4096x128xf32, #tpu.memory_space<hbm>> -> memref<1x128x128xf32, #tpu.memory_space<hbm>>
        %dma_start3A_197 = tpu.memref_squeeze %dma_start3A_196 : memref<1x128x128xf32, #tpu.memory_space<hbm>> -> memref<128x128xf32, #tpu.memory_space<hbm>>
        tpu.enqueue_dma source(%arg6 : memref<128x128xf32, #tpu.memory_space<vmem>>) target(%dma_start3A_197 : memref<128x128xf32, #tpu.memory_space<hbm>>) target_semaphore(%arg17 : memref<!tpu.dma_semaphore, #tpu.memory_space<semaphore_mem>>)
      } else {
      }
      %mul3A_136 = arith.constant 5 : i32
      %mul3A_137 = arith.muli %scan3A_56, %mul3A_136 : i32
      %add3A_138 = arith.constant 1 : i32
      %add3A_139 = arith.addi %mul3A_137, %add3A_138 : i32
      %lt3A_140 = arith.constant 49 : i32
      %lt3A_141 = arith.cmpi slt, %add3A_139, %lt3A_140 : i32
      %convert_element_type3A_142 = arith.extui %lt3A_141 : i1 to i32
      %cond3A_143 = arith.constant 0 : i32
      %cond3A_144 = arith.cmpi ne, %convert_element_type3A_142, %cond3A_143 : i32
      scf.if %cond3A_144 {
        %add3A_192 = arith.constant 1 : i32
        %add3A_193 = arith.addi %add3A_139, %add3A_192 : i32
        %dma_wait3A_194 = arith.constant 0 : i32
        %dma_wait3A_195 = tpu.memref_slice %arg5[%add3A_193, %dma_wait3A_194] : memref<50x128xi32, #tpu.memory_space<vmem>> -> memref<1x128xi32, #tpu.memory_space<vmem>>
        %dma_wait3A_196 = tpu.memref_squeeze %dma_wait3A_195 : memref<1x128xi32, #tpu.memory_space<vmem>> -> memref<128xi32, #tpu.memory_space<vmem>>
        %dma_wait3A_197 = arith.constant 0 : i32
        %dma_wait3A_198 = arith.constant 0 : i32
        %dma_wait3A_199 = tpu.memref_slice %arg3[%dma_wait3A_197, %dma_wait3A_198] : memref<100000x128xf32, #tpu.memory_space<hbm>> -> memref<100000x128xf32, #tpu.memory_space<hbm>>
        tpu.wait_indirect_dma semaphore(%arg13 : memref<!tpu.dma_semaphore, #tpu.memory_space<semaphore_mem>>) src(%dma_wait3A_199 : memref<100000x128xf32, #tpu.memory_space<hbm>>) dst(%arg8 : memref<128x128xf32, #tpu.memory_space<vmem>>)
        %dma_start3A_200 = arith.constant 0 : i32
        %dma_start3A_201 = tpu.memref_slice %arg4[%add3A_139, %mul3A_2, %dma_start3A_200] : memref<50x4096x128xf32, #tpu.memory_space<hbm>> -> memref<1x128x128xf32, #tpu.memory_space<hbm>>
        %dma_start3A_202 = tpu.memref_squeeze %dma_start3A_201 : memref<1x128x128xf32, #tpu.memory_space<hbm>> -> memref<128x128xf32, #tpu.memory_space<hbm>>
        %dma_start3A_203 = arith.constant 0 : i32
        %dma_start3A_204 = tpu.memref_slice %arg4[%add3A_139, %mul3A_2, %dma_start3A_203] : memref<50x4096x128xf32, #tpu.memory_space<hbm>> -> memref<1x128x128xf32, #tpu.memory_space<hbm>>
        %dma_start3A_205 = tpu.memref_squeeze %dma_start3A_204 : memref<1x128x128xf32, #tpu.memory_space<hbm>> -> memref<128x128xf32, #tpu.memory_space<hbm>>
        tpu.enqueue_dma source(%arg8 : memref<128x128xf32, #tpu.memory_space<vmem>>) target(%dma_start3A_205 : memref<128x128xf32, #tpu.memory_space<hbm>>) target_semaphore(%arg18 : memref<!tpu.dma_semaphore, #tpu.memory_space<semaphore_mem>>)
      } else {
      }
      %eq3A_145 = arith.constant 49 : i32
      %eq3A_146 = arith.cmpi eq, %add3A_139, %eq3A_145 : i32
      %convert_element_type3A_147 = arith.extui %eq3A_146 : i1 to i32
      %cond3A_148 = arith.constant 0 : i32
      %cond3A_149 = arith.cmpi ne, %convert_element_type3A_147, %cond3A_148 : i32
      scf.if %cond3A_149 {
        %dma_start3A_192 = arith.constant 0 : i32
        %dma_start3A_193 = tpu.memref_slice %arg4[%add3A_139, %mul3A_2, %dma_start3A_192] : memref<50x4096x128xf32, #tpu.memory_space<hbm>> -> memref<1x128x128xf32, #tpu.memory_space<hbm>>
        %dma_start3A_194 = tpu.memref_squeeze %dma_start3A_193 : memref<1x128x128xf32, #tpu.memory_space<hbm>> -> memref<128x128xf32, #tpu.memory_space<hbm>>
        %dma_start3A_195 = arith.constant 0 : i32
        %dma_start3A_196 = tpu.memref_slice %arg4[%add3A_139, %mul3A_2, %dma_start3A_195] : memref<50x4096x128xf32, #tpu.memory_space<hbm>> -> memref<1x128x128xf32, #tpu.memory_space<hbm>>
        %dma_start3A_197 = tpu.memref_squeeze %dma_start3A_196 : memref<1x128x128xf32, #tpu.memory_space<hbm>> -> memref<128x128xf32, #tpu.memory_space<hbm>>
        tpu.enqueue_dma source(%arg6 : memref<128x128xf32, #tpu.memory_space<vmem>>) target(%dma_start3A_197 : memref<128x128xf32, #tpu.memory_space<hbm>>) target_semaphore(%arg18 : memref<!tpu.dma_semaphore, #tpu.memory_space<semaphore_mem>>)
      } else {
      }
      %mul3A_150 = arith.constant 5 : i32
      %mul3A_151 = arith.muli %scan3A_56, %mul3A_150 : i32
      %add3A_152 = arith.constant 2 : i32
      %add3A_153 = arith.addi %mul3A_151, %add3A_152 : i32
      %lt3A_154 = arith.constant 49 : i32
      %lt3A_155 = arith.cmpi slt, %add3A_153, %lt3A_154 : i32
      %convert_element_type3A_156 = arith.extui %lt3A_155 : i1 to i32
      %cond3A_157 = arith.constant 0 : i32
      %cond3A_158 = arith.cmpi ne, %convert_element_type3A_156, %cond3A_157 : i32
      scf.if %cond3A_158 {
        %add3A_192 = arith.constant 1 : i32
        %add3A_193 = arith.addi %add3A_153, %add3A_192 : i32
        %dma_wait3A_194 = arith.constant 0 : i32
        %dma_wait3A_195 = tpu.memref_slice %arg5[%add3A_193, %dma_wait3A_194] : memref<50x128xi32, #tpu.memory_space<vmem>> -> memref<1x128xi32, #tpu.memory_space<vmem>>
        %dma_wait3A_196 = tpu.memref_squeeze %dma_wait3A_195 : memref<1x128xi32, #tpu.memory_space<vmem>> -> memref<128xi32, #tpu.memory_space<vmem>>
        %dma_wait3A_197 = arith.constant 0 : i32
        %dma_wait3A_198 = arith.constant 0 : i32
        %dma_wait3A_199 = tpu.memref_slice %arg3[%dma_wait3A_197, %dma_wait3A_198] : memref<100000x128xf32, #tpu.memory_space<hbm>> -> memref<100000x128xf32, #tpu.memory_space<hbm>>
        tpu.wait_indirect_dma semaphore(%arg14 : memref<!tpu.dma_semaphore, #tpu.memory_space<semaphore_mem>>) src(%dma_wait3A_199 : memref<100000x128xf32, #tpu.memory_space<hbm>>) dst(%arg9 : memref<128x128xf32, #tpu.memory_space<vmem>>)
        %dma_start3A_200 = arith.constant 0 : i32
        %dma_start3A_201 = tpu.memref_slice %arg4[%add3A_153, %mul3A_2, %dma_start3A_200] : memref<50x4096x128xf32, #tpu.memory_space<hbm>> -> memref<1x128x128xf32, #tpu.memory_space<hbm>>
        %dma_start3A_202 = tpu.memref_squeeze %dma_start3A_201 : memref<1x128x128xf32, #tpu.memory_space<hbm>> -> memref<128x128xf32, #tpu.memory_space<hbm>>
        %dma_start3A_203 = arith.constant 0 : i32
        %dma_start3A_204 = tpu.memref_slice %arg4[%add3A_153, %mul3A_2, %dma_start3A_203] : memref<50x4096x128xf32, #tpu.memory_space<hbm>> -> memref<1x128x128xf32, #tpu.memory_space<hbm>>
        %dma_start3A_205 = tpu.memref_squeeze %dma_start3A_204 : memref<1x128x128xf32, #tpu.memory_space<hbm>> -> memref<128x128xf32, #tpu.memory_space<hbm>>
        tpu.enqueue_dma source(%arg9 : memref<128x128xf32, #tpu.memory_space<vmem>>) target(%dma_start3A_205 : memref<128x128xf32, #tpu.memory_space<hbm>>) target_semaphore(%arg19 : memref<!tpu.dma_semaphore, #tpu.memory_space<semaphore_mem>>)
      } else {
      }
      %eq3A_159 = arith.constant 49 : i32
      %eq3A_160 = arith.cmpi eq, %add3A_153, %eq3A_159 : i32
      %convert_element_type3A_161 = arith.extui %eq3A_160 : i1 to i32
      %cond3A_162 = arith.constant 0 : i32
      %cond3A_163 = arith.cmpi ne, %convert_element_type3A_161, %cond3A_162 : i32
      scf.if %cond3A_163 {
        %dma_start3A_192 = arith.constant 0 : i32
        %dma_start3A_193 = tpu.memref_slice %arg4[%add3A_153, %mul3A_2, %dma_start3A_192] : memref<50x4096x128xf32, #tpu.memory_space<hbm>> -> memref<1x128x128xf32, #tpu.memory_space<hbm>>
        %dma_start3A_194 = tpu.memref_squeeze %dma_start3A_193 : memref<1x128x128xf32, #tpu.memory_space<hbm>> -> memref<128x128xf32, #tpu.memory_space<hbm>>
        %dma_start3A_195 = arith.constant 0 : i32
        %dma_start3A_196 = tpu.memref_slice %arg4[%add3A_153, %mul3A_2, %dma_start3A_195] : memref<50x4096x128xf32, #tpu.memory_space<hbm>> -> memref<1x128x128xf32, #tpu.memory_space<hbm>>
        %dma_start3A_197 = tpu.memref_squeeze %dma_start3A_196 : memref<1x128x128xf32, #tpu.memory_space<hbm>> -> memref<128x128xf32, #tpu.memory_space<hbm>>
        tpu.enqueue_dma source(%arg6 : memref<128x128xf32, #tpu.memory_space<vmem>>) target(%dma_start3A_197 : memref<128x128xf32, #tpu.memory_space<hbm>>) target_semaphore(%arg19 : memref<!tpu.dma_semaphore, #tpu.memory_space<semaphore_mem>>)
      } else {
      }
      %mul3A_164 = arith.constant 5 : i32
      %mul3A_165 = arith.muli %scan3A_56, %mul3A_164 : i32
      %add3A_166 = arith.constant 3 : i32
      %add3A_167 = arith.addi %mul3A_165, %add3A_166 : i32
      %lt3A_168 = arith.constant 49 : i32
      %lt3A_169 = arith.cmpi slt, %add3A_167, %lt3A_168 : i32
      %convert_element_type3A_170 = arith.extui %lt3A_169 : i1 to i32
      %cond3A_171 = arith.constant 0 : i32
      %cond3A_172 = arith.cmpi ne, %convert_element_type3A_170, %cond3A_171 : i32
      scf.if %cond3A_172 {
        %add3A_192 = arith.constant 1 : i32
        %add3A_193 = arith.addi %add3A_167, %add3A_192 : i32
        %dma_wait3A_194 = arith.constant 0 : i32
        %dma_wait3A_195 = tpu.memref_slice %arg5[%add3A_193, %dma_wait3A_194] : memref<50x128xi32, #tpu.memory_space<vmem>> -> memref<1x128xi32, #tpu.memory_space<vmem>>
        %dma_wait3A_196 = tpu.memref_squeeze %dma_wait3A_195 : memref<1x128xi32, #tpu.memory_space<vmem>> -> memref<128xi32, #tpu.memory_space<vmem>>
        %dma_wait3A_197 = arith.constant 0 : i32
        %dma_wait3A_198 = arith.constant 0 : i32
        %dma_wait3A_199 = tpu.memref_slice %arg3[%dma_wait3A_197, %dma_wait3A_198] : memref<100000x128xf32, #tpu.memory_space<hbm>> -> memref<100000x128xf32, #tpu.memory_space<hbm>>
        tpu.wait_indirect_dma semaphore(%arg15 : memref<!tpu.dma_semaphore, #tpu.memory_space<semaphore_mem>>) src(%dma_wait3A_199 : memref<100000x128xf32, #tpu.memory_space<hbm>>) dst(%arg10 : memref<128x128xf32, #tpu.memory_space<vmem>>)
        %dma_start3A_200 = arith.constant 0 : i32
        %dma_start3A_201 = tpu.memref_slice %arg4[%add3A_167, %mul3A_2, %dma_start3A_200] : memref<50x4096x128xf32, #tpu.memory_space<hbm>> -> memref<1x128x128xf32, #tpu.memory_space<hbm>>
        %dma_start3A_202 = tpu.memref_squeeze %dma_start3A_201 : memref<1x128x128xf32, #tpu.memory_space<hbm>> -> memref<128x128xf32, #tpu.memory_space<hbm>>
        %dma_start3A_203 = arith.constant 0 : i32
        %dma_start3A_204 = tpu.memref_slice %arg4[%add3A_167, %mul3A_2, %dma_start3A_203] : memref<50x4096x128xf32, #tpu.memory_space<hbm>> -> memref<1x128x128xf32, #tpu.memory_space<hbm>>
        %dma_start3A_205 = tpu.memref_squeeze %dma_start3A_204 : memref<1x128x128xf32, #tpu.memory_space<hbm>> -> memref<128x128xf32, #tpu.memory_space<hbm>>
        tpu.enqueue_dma source(%arg10 : memref<128x128xf32, #tpu.memory_space<vmem>>) target(%dma_start3A_205 : memref<128x128xf32, #tpu.memory_space<hbm>>) target_semaphore(%arg20 : memref<!tpu.dma_semaphore, #tpu.memory_space<semaphore_mem>>)
      } else {
      }
      %eq3A_173 = arith.constant 49 : i32
      %eq3A_174 = arith.cmpi eq, %add3A_167, %eq3A_173 : i32
      %convert_element_type3A_175 = arith.extui %eq3A_174 : i1 to i32
      %cond3A_176 = arith.constant 0 : i32
      %cond3A_177 = arith.cmpi ne, %convert_element_type3A_175, %cond3A_176 : i32
      scf.if %cond3A_177 {
        %dma_start3A_192 = arith.constant 0 : i32
        %dma_start3A_193 = tpu.memref_slice %arg4[%add3A_167, %mul3A_2, %dma_start3A_192] : memref<50x4096x128xf32, #tpu.memory_space<hbm>> -> memref<1x128x128xf32, #tpu.memory_space<hbm>>
        %dma_start3A_194 = tpu.memref_squeeze %dma_start3A_193 : memref<1x128x128xf32, #tpu.memory_space<hbm>> -> memref<128x128xf32, #tpu.memory_space<hbm>>
        %dma_start3A_195 = arith.constant 0 : i32
        %dma_start3A_196 = tpu.memref_slice %arg4[%add3A_167, %mul3A_2, %dma_start3A_195] : memref<50x4096x128xf32, #tpu.memory_space<hbm>> -> memref<1x128x128xf32, #tpu.memory_space<hbm>>
        %dma_start3A_197 = tpu.memref_squeeze %dma_start3A_196 : memref<1x128x128xf32, #tpu.memory_space<hbm>> -> memref<128x128xf32, #tpu.memory_space<hbm>>
        tpu.enqueue_dma source(%arg6 : memref<128x128xf32, #tpu.memory_space<vmem>>) target(%dma_start3A_197 : memref<128x128xf32, #tpu.memory_space<hbm>>) target_semaphore(%arg20 : memref<!tpu.dma_semaphore, #tpu.memory_space<semaphore_mem>>)
      } else {
      }
      %mul3A_178 = arith.constant 5 : i32
      %mul3A_179 = arith.muli %scan3A_56, %mul3A_178 : i32
      %add3A_180 = arith.constant 4 : i32
      %add3A_181 = arith.addi %mul3A_179, %add3A_180 : i32
      %lt3A_182 = arith.constant 49 : i32
      %lt3A_183 = arith.cmpi slt, %add3A_181, %lt3A_182 : i32
      %convert_element_type3A_184 = arith.extui %lt3A_183 : i1 to i32
      %cond3A_185 = arith.constant 0 : i32
      %cond3A_186 = arith.cmpi ne, %convert_element_type3A_184, %cond3A_185 : i32
      scf.if %cond3A_186 {
        %add3A_192 = arith.constant 1 : i32
        %add3A_193 = arith.addi %add3A_181, %add3A_192 : i32
        %dma_wait3A_194 = arith.constant 0 : i32
        %dma_wait3A_195 = tpu.memref_slice %arg5[%add3A_193, %dma_wait3A_194] : memref<50x128xi32, #tpu.memory_space<vmem>> -> memref<1x128xi32, #tpu.memory_space<vmem>>
        %dma_wait3A_196 = tpu.memref_squeeze %dma_wait3A_195 : memref<1x128xi32, #tpu.memory_space<vmem>> -> memref<128xi32, #tpu.memory_space<vmem>>
        %dma_wait3A_197 = arith.constant 0 : i32
        %dma_wait3A_198 = arith.constant 0 : i32
        %dma_wait3A_199 = tpu.memref_slice %arg3[%dma_wait3A_197, %dma_wait3A_198] : memref<100000x128xf32, #tpu.memory_space<hbm>> -> memref<100000x128xf32, #tpu.memory_space<hbm>>
        tpu.wait_indirect_dma semaphore(%arg16 : memref<!tpu.dma_semaphore, #tpu.memory_space<semaphore_mem>>) src(%dma_wait3A_199 : memref<100000x128xf32, #tpu.memory_space<hbm>>) dst(%arg11 : memref<128x128xf32, #tpu.memory_space<vmem>>)
        %dma_start3A_200 = arith.constant 0 : i32
        %dma_start3A_201 = tpu.memref_slice %arg4[%add3A_181, %mul3A_2, %dma_start3A_200] : memref<50x4096x128xf32, #tpu.memory_space<hbm>> -> memref<1x128x128xf32, #tpu.memory_space<hbm>>
        %dma_start3A_202 = tpu.memref_squeeze %dma_start3A_201 : memref<1x128x128xf32, #tpu.memory_space<hbm>> -> memref<128x128xf32, #tpu.memory_space<hbm>>
        %dma_start3A_203 = arith.constant 0 : i32
        %dma_start3A_204 = tpu.memref_slice %arg4[%add3A_181, %mul3A_2, %dma_start3A_203] : memref<50x4096x128xf32, #tpu.memory_space<hbm>> -> memref<1x128x128xf32, #tpu.memory_space<hbm>>
        %dma_start3A_205 = tpu.memref_squeeze %dma_start3A_204 : memref<1x128x128xf32, #tpu.memory_space<hbm>> -> memref<128x128xf32, #tpu.memory_space<hbm>>
        tpu.enqueue_dma source(%arg11 : memref<128x128xf32, #tpu.memory_space<vmem>>) target(%dma_start3A_205 : memref<128x128xf32, #tpu.memory_space<hbm>>) target_semaphore(%arg21 : memref<!tpu.dma_semaphore, #tpu.memory_space<semaphore_mem>>)
      } else {
      }
      %eq3A_187 = arith.constant 49 : i32
      %eq3A_188 = arith.cmpi eq, %add3A_181, %eq3A_187 : i32
      %convert_element_type3A_189 = arith.extui %eq3A_188 : i1 to i32
      %cond3A_190 = arith.constant 0 : i32
      %cond3A_191 = arith.cmpi ne, %convert_element_type3A_189, %cond3A_190 : i32
      scf.if %cond3A_191 {
        %dma_start3A_192 = arith.constant 0 : i32
        %dma_start3A_193 = tpu.memref_slice %arg4[%add3A_181, %mul3A_2, %dma_start3A_192] : memref<50x4096x128xf32, #tpu.memory_space<hbm>> -> memref<1x128x128xf32, #tpu.memory_space<hbm>>
        %dma_start3A_194 = tpu.memref_squeeze %dma_start3A_193 : memref<1x128x128xf32, #tpu.memory_space<hbm>> -> memref<128x128xf32, #tpu.memory_space<hbm>>
        %dma_start3A_195 = arith.constant 0 : i32
        %dma_start3A_196 = tpu.memref_slice %arg4[%add3A_181, %mul3A_2, %dma_start3A_195] : memref<50x4096x128xf32, #tpu.memory_space<hbm>> -> memref<1x128x128xf32, #tpu.memory_space<hbm>>
        %dma_start3A_197 = tpu.memref_squeeze %dma_start3A_196 : memref<1x128x128xf32, #tpu.memory_space<hbm>> -> memref<128x128xf32, #tpu.memory_space<hbm>>
        tpu.enqueue_dma source(%arg6 : memref<128x128xf32, #tpu.memory_space<vmem>>) target(%dma_start3A_197 : memref<128x128xf32, #tpu.memory_space<hbm>>) target_semaphore(%arg21 : memref<!tpu.dma_semaphore, #tpu.memory_space<semaphore_mem>>)
      } else {
      }
    }
    %scan3A_20 = arith.constant 10 : i32
    %dma_wait3A_21 = arith.constant 45 : i32
    %dma_wait3A_22 = arith.constant 0 : i32
    %dma_wait3A_23 = tpu.memref_slice %arg4[%dma_wait3A_21, %mul3A_2, %dma_wait3A_22] : memref<50x4096x128xf32, #tpu.memory_space<hbm>> -> memref<1x128x128xf32, #tpu.memory_space<hbm>>
    %dma_wait3A_24 = tpu.memref_squeeze %dma_wait3A_23 : memref<1x128x128xf32, #tpu.memory_space<hbm>> -> memref<128x128xf32, #tpu.memory_space<hbm>>
    %dma_wait3A_25 = arith.constant 0 : i32
    %dma_wait3A_26 = tpu.memref_slice %arg4[%dma_wait3A_21, %mul3A_2, %dma_wait3A_25] : memref<50x4096x128xf32, #tpu.memory_space<hbm>> -> memref<1x128x128xf32, #tpu.memory_space<hbm>>
    %dma_wait3A_27 = tpu.memref_squeeze %dma_wait3A_26 : memref<1x128x128xf32, #tpu.memory_space<hbm>> -> memref<128x128xf32, #tpu.memory_space<hbm>>
    tpu.wait_dma2 semaphore(%arg17 : memref<!tpu.dma_semaphore, #tpu.memory_space<semaphore_mem>>) src(%arg7 : memref<128x128xf32, #tpu.memory_space<vmem>>) dst(%dma_wait3A_27 : memref<128x128xf32, #tpu.memory_space<hbm>>)
    %dma_wait3A_28 = arith.constant 46 : i32
    %dma_wait3A_29 = arith.constant 0 : i32
    %dma_wait3A_30 = tpu.memref_slice %arg4[%dma_wait3A_28, %mul3A_2, %dma_wait3A_29] : memref<50x4096x128xf32, #tpu.memory_space<hbm>> -> memref<1x128x128xf32, #tpu.memory_space<hbm>>
    %dma_wait3A_31 = tpu.memref_squeeze %dma_wait3A_30 : memref<1x128x128xf32, #tpu.memory_space<hbm>> -> memref<128x128xf32, #tpu.memory_space<hbm>>
    %dma_wait3A_32 = arith.constant 0 : i32
    %dma_wait3A_33 = tpu.memref_slice %arg4[%dma_wait3A_28, %mul3A_2, %dma_wait3A_32] : memref<50x4096x128xf32, #tpu.memory_space<hbm>> -> memref<1x128x128xf32, #tpu.memory_space<hbm>>
    %dma_wait3A_34 = tpu.memref_squeeze %dma_wait3A_33 : memref<1x128x128xf32, #tpu.memory_space<hbm>> -> memref<128x128xf32, #tpu.memory_space<hbm>>
    tpu.wait_dma2 semaphore(%arg18 : memref<!tpu.dma_semaphore, #tpu.memory_space<semaphore_mem>>) src(%arg8 : memref<128x128xf32, #tpu.memory_space<vmem>>) dst(%dma_wait3A_34 : memref<128x128xf32, #tpu.memory_space<hbm>>)
    %dma_wait3A_35 = arith.constant 47 : i32
    %dma_wait3A_36 = arith.constant 0 : i32
    %dma_wait3A_37 = tpu.memref_slice %arg4[%dma_wait3A_35, %mul3A_2, %dma_wait3A_36] : memref<50x4096x128xf32, #tpu.memory_space<hbm>> -> memref<1x128x128xf32, #tpu.memory_space<hbm>>
    %dma_wait3A_38 = tpu.memref_squeeze %dma_wait3A_37 : memref<1x128x128xf32, #tpu.memory_space<hbm>> -> memref<128x128xf32, #tpu.memory_space<hbm>>
    %dma_wait3A_39 = arith.constant 0 : i32
    %dma_wait3A_40 = tpu.memref_slice %arg4[%dma_wait3A_35, %mul3A_2, %dma_wait3A_39] : memref<50x4096x128xf32, #tpu.memory_space<hbm>> -> memref<1x128x128xf32, #tpu.memory_space<hbm>>
    %dma_wait3A_41 = tpu.memref_squeeze %dma_wait3A_40 : memref<1x128x128xf32, #tpu.memory_space<hbm>> -> memref<128x128xf32, #tpu.memory_space<hbm>>
    tpu.wait_dma2 semaphore(%arg19 : memref<!tpu.dma_semaphore, #tpu.memory_space<semaphore_mem>>) src(%arg9 : memref<128x128xf32, #tpu.memory_space<vmem>>) dst(%dma_wait3A_41 : memref<128x128xf32, #tpu.memory_space<hbm>>)
    %dma_wait3A_42 = arith.constant 48 : i32
    %dma_wait3A_43 = arith.constant 0 : i32
    %dma_wait3A_44 = tpu.memref_slice %arg4[%dma_wait3A_42, %mul3A_2, %dma_wait3A_43] : memref<50x4096x128xf32, #tpu.memory_space<hbm>> -> memref<1x128x128xf32, #tpu.memory_space<hbm>>
    %dma_wait3A_45 = tpu.memref_squeeze %dma_wait3A_44 : memref<1x128x128xf32, #tpu.memory_space<hbm>> -> memref<128x128xf32, #tpu.memory_space<hbm>>
    %dma_wait3A_46 = arith.constant 0 : i32
    %dma_wait3A_47 = tpu.memref_slice %arg4[%dma_wait3A_42, %mul3A_2, %dma_wait3A_46] : memref<50x4096x128xf32, #tpu.memory_space<hbm>> -> memref<1x128x128xf32, #tpu.memory_space<hbm>>
    %dma_wait3A_48 = tpu.memref_squeeze %dma_wait3A_47 : memref<1x128x128xf32, #tpu.memory_space<hbm>> -> memref<128x128xf32, #tpu.memory_space<hbm>>
    tpu.wait_dma2 semaphore(%arg20 : memref<!tpu.dma_semaphore, #tpu.memory_space<semaphore_mem>>) src(%arg10 : memref<128x128xf32, #tpu.memory_space<vmem>>) dst(%dma_wait3A_48 : memref<128x128xf32, #tpu.memory_space<hbm>>)
    %dma_wait3A_49 = arith.constant 49 : i32
    %dma_wait3A_50 = arith.constant 0 : i32
    %dma_wait3A_51 = tpu.memref_slice %arg4[%dma_wait3A_49, %mul3A_2, %dma_wait3A_50] : memref<50x4096x128xf32, #tpu.memory_space<hbm>> -> memref<1x128x128xf32, #tpu.memory_space<hbm>>
    %dma_wait3A_52 = tpu.memref_squeeze %dma_wait3A_51 : memref<1x128x128xf32, #tpu.memory_space<hbm>> -> memref<128x128xf32, #tpu.memory_space<hbm>>
    %dma_wait3A_53 = arith.constant 0 : i32
    %dma_wait3A_54 = tpu.memref_slice %arg4[%dma_wait3A_49, %mul3A_2, %dma_wait3A_53] : memref<50x4096x128xf32, #tpu.memory_space<hbm>> -> memref<1x128x128xf32, #tpu.memory_space<hbm>>
    %dma_wait3A_55 = tpu.memref_squeeze %dma_wait3A_54 : memref<1x128x128xf32, #tpu.memory_space<hbm>> -> memref<128x128xf32, #tpu.memory_space<hbm>>
    tpu.wait_dma2 semaphore(%arg21 : memref<!tpu.dma_semaphore, #tpu.memory_space<semaphore_mem>>) src(%arg6 : memref<128x128xf32, #tpu.memory_space<vmem>>) dst(%dma_wait3A_55 : memref<128x128xf32, #tpu.memory_space<hbm>>)
    return
  }
}

</mosaic_0001>

<sc_bundles>
// kernel: kernel.3.cloned.1.call-start
scs
__scs_entry_jumppad:
0x0: {  	(pc) =	sbr.rel $0x88, $3  }
0x1: {  	(tag) =	ssettag $0x0;
	lr =	simm.s32 $0x1  }
0x2: {  	[smem:$0x3F9F] =	sst lr;
	_ =	strace $0xD0000000  }
0x3: {  	_ = 	snop  }
0x4: {  	_ = 	snop  }
0x5: {  	_ = 	snop  }
0x6: {  	_ = 	snop  }
0x7: {  	_ = 	snop  }
__scs_overlays_trampoline_lowered:
0x8: {  	[smem:$0x3FAE] =	sst s0  }
0x9: {  	[smem:$0x3FAF] =	sst s1  }
0xa: {  	[smem:$0x3FB0] =	sst s2  }
0xb: {  	[smem:$0x3FB1] =	sst s3  }
0xc: {  	[smem:$0x3FB2] =	sst s4  }
0xd: {  	[smem:$0x3FB3] =	sst s5  }
0xe: {  	[smem:$0x3FB4] =	sst s6  }
0xf: {  	[smem:$0x3FB5] =	sst s7  }
0x10: {  	[smem:$0x3FB6] =	sst s8  }
0x11: {  	[smem:$0x3FB7] =	sst s9;
	s0 =	simm.s32 @!p0 $0x0  }
0x12: {  	s1 =	sld [smem:$0x3F9D];
	s0 =	simm.s32 @p0 $0x1  }
0x13: {  	[smem:$0x3FB8] =	sst s0;
	s0 =	simm.s32 @!p1 $0x0  }
0x14: {  	s2 =	sld [smem:$0x3F9C];
	s0 =	simm.s32 @p1 $0x1  }
0x15: {  	[smem:$0x3FB9] =	sst s0;
	s0 =	simm.s32 @!p2 $0x0  }
0x16: {  	s3 =	sld [smem:$0x3FDB];
	s0 =	simm.s32 @p2 $0x1  }
0x17: {  	s4 =	simm.s32 $0x1BF5;
	[smem:$0x3FBB] =	sst s0  }
0x18: {  	s0 =	sld [smem:$0x3F9E];
	_ =	swait.ge [sflag:s4], $0x0  }
0x19: {  	s7 =	sld [smem:$0x3F9F]  }
0x1a: {  	s8 =	sadd.s32 $0xFFFFE003, lr  }
0x1b: {  	s9 =	sadd.s32 $0xFFFFFEF7, lr;
	s5 =	simm.s32 $0xFFFFFFFF;
	p2 =	slt.u32 s8, $0xFFFFF086  }
0x1c: {  	p1 =	slt.u32 s9, $0xF7A;
	s5 =	simm.s32 @!p2 $0x0  }
0x1d: {  	s5 =	simm.s32 @p1 $0x1;
	p0 =	seq.s32 s7, s2  }
0x1e: {  	s7 =	smul.u32 @!p0 $0xF7A, s2;
	p2 =	seq.s32 @!p0 s5, $0x0  }
0x1f: {  	s9 =	smul.u32 $0xF7A, s1;
	s8 =	simm.s32 @!p0 $0x1BF5;
	p2 =	por !p2, p0  }
0x20: {  	[sflag:s8] =	ssyncset.s32 @!p0 $0xFFFFF086;
	s6 =	sadd.s32 @!p0 s3, s7;
	s7 =	simm.s32 @!p0 $0x108  }
0x21: {  	s3 =	sadd.s32 s3, s9;
	s6 =	sadd.s32 @!p0 $0x88, s6;
	s7 =	simm.s32 @p2 $0x1082  }
0x22: {  	[simem:s7], [sflag:s8] =	dma.local @!p0 [hbm:s6], $0xF7A  }
0x23: {  	s9 =	sor.u32 $0xD0000000, s2;
	s6 =	simm.s32 $0x108;
	_ =	swait.ge @!p0 [sflag:s8], $0x0  }
0x24: {  	s3 =	sadd.s32 $0x88, s3;
	s6 =	simm.s32 @!p1 $0x1082;
	[sflag:s4] =	ssyncset.s32 $0xFFFFF086  }
0x25: {  	[simem:s6], [sflag:s4] =	dma.local [hbm:s3], $0xF7A  }
0x26: {  	[smem:$0x3F9F] =	sst s1;
	(tag) =	ssettag s2;
	_ =	strace s9  }
0x27: {  	s1 =	sld [smem:$0x3FAF]  }
0x28: {  	s2 =	sld [smem:$0x3FB0]  }
0x29: {  	s4 =	sld [smem:$0x3FB2]  }
0x2a: {  	p0 =	seq.s32 s5, $0x0;
	s5 =	sld [smem:$0x3FB3]  }
0x2b: {  	s6 =	sld [smem:$0x3FB4]  }
0x2c: {  	s7 =	sld [smem:$0x3FB5]  }
0x2d: {  	s3 =	simm.s32 $0x108;
	s8 =	sld [smem:$0x3FB6]  }
0x2e: {  	s3 =	simm.s32 @!p0 $0x1082;
	s9 =	sld [smem:$0x3FB7]  }
0x2f: {  	lr =	sadd.s32 s0, s3;
	s0 =	sld [smem:$0x3FAE]  }
0x30: {  	s3 =	sld [smem:$0x3FB1]  }
0x31: {  	[smem:$0x3FBA] =	sst s10  }
0x32: {  	s10 =	sld [smem:$0x3FB8];
	_ =	sdelay $0x3  }
0x33: {  	p0 =	seq.s32 s10, $0x1;
	s10 =	sld [smem:$0x3FBA];
	_ =	sdelay $0x3  }
0x34: {  	[smem:$0x3FBA] =	sst s10  }
0x35: {  	s10 =	sld [smem:$0x3FB9];
	_ =	sdelay $0x3  }
0x36: {  	p1 =	seq.s32 s10, $0x1;
	s10 =	sld [smem:$0x3FBA];
	_ =	sdelay $0x3  }
0x37: {  	[smem:$0x3FBA] =	sst s10  }
0x38: {  	s10 =	sld [smem:$0x3FBB]  }
0x39: {  	_ = 	snop;
	(pc) =	sbr.ind lr, $3  }
0x3a: {  	_ = 	snop  }
0x3b: {  	_ = 	snop  }
0x3c: {  	p2 =	seq.s32 s10, $0x1;
	s10 =	sld [smem:$0x3FBA]  }
0x3d: {  	_ =	shalt  }
0x3e: {  	_ =	shalt  }
0x3f: {  	_ =	shalt  }
0x40: {  	_ =	shalt  }
0x41: {  	_ =	shalt  }
0x42: {  	_ =	shalt  }
0x43: {  	_ =	shalt  }
0x44: {  	_ =	shalt  }
0x45: {  	_ =	shalt  }
0x46: {  	_ =	shalt  }
0x47: {  	_ =	shalt  }
0x48: {  	_ =	shalt  }
0x49: {  	_ =	shalt  }
0x4a: {  	_ =	shalt  }
0x4b: {  	_ =	shalt  }
0x4c: {  	_ =	shalt  }
0x4d: {  	_ =	shalt  }
0x4e: {  	_ =	shalt  }
0x4f: {  	_ =	shalt  }
0x50: {  	_ =	shalt  }
0x51: {  	_ =	shalt  }
0x52: {  	_ =	shalt  }
0x53: {  	_ =	shalt  }
0x54: {  	_ =	shalt  }
0x55: {  	_ =	shalt  }
0x56: {  	_ =	shalt  }
0x57: {  	_ =	shalt  }
0x58: {  	_ =	shalt  }
0x59: {  	_ =	shalt  }
0x5a: {  	_ =	shalt  }
0x5b: {  	_ =	shalt  }
0x5c: {  	_ =	shalt  }
0x5d: {  	_ =	shalt  }
0x5e: {  	_ =	shalt  }
0x5f: {  	_ =	shalt  }
0x60: {  	_ =	shalt  }
0x61: {  	_ =	shalt  }
0x62: {  	_ =	shalt  }
0x63: {  	_ =	shalt  }
0x64: {  	_ =	shalt  }
0x65: {  	_ =	shalt  }
0x66: {  	_ =	shalt  }
0x67: {  	_ =	shalt  }
0x68: {  	_ =	shalt  }
0x69: {  	_ =	shalt  }
0x6a: {  	_ =	shalt  }
0x6b: {  	_ =	shalt  }
0x6c: {  	_ =	shalt  }
0x6d: {  	_ =	shalt  }
0x6e: {  	_ =	shalt  }
0x6f: {  	_ =	shalt  }
0x70: {  	_ =	shalt  }
0x71: {  	_ =	shalt  }
0x72: {  	_ =	shalt  }
0x73: {  	_ =	shalt  }
0x74: {  	_ =	shalt  }
0x75: {  	_ =	shalt  }
0x76: {  	_ =	shalt  }
0x77: {  	_ =	shalt  }
0x78: {  	_ =	shalt  }
0x79: {  	_ =	shalt  }
0x7a: {  	_ =	shalt  }
0x7b: {  	_ =	shalt  }
0x7c: {  	_ =	shalt  }
0x7d: {  	_ =	shalt  }
0x7e: {  	_ =	shalt  }
0x7f: {  	_ =	shalt  }
0x80: {  	_ =	shalt  }
0x81: {  	_ =	shalt  }
0x82: {  	_ =	shalt  }
0x83: {  	_ =	shalt  }
0x84: {  	_ =	shalt  }
0x85: {  	_ =	shalt  }
0x86: {  	_ =	shalt  }
0x87: {  	_ =	shalt  }
.Lfunc_end0:
.L_simem_size_0:
called_computation_lowered:
.L_overlay_start_0:
0x88: {  	s2 =	sld [smem:$0x3FD9]  }
0x89: {  	s3 =	sld [smem:$0x3FFE];
	_ =	sdelay $0x1  }
0x8a: {  	s1 =	srdreg.scid  }
0x8b: {  	s0 =	sand.u32 $0x1, s1  }
0x8c: {  	s18 =	sshll.u32 s0, $0xA;
	s2 =	sadd.s32 s3, s2  }
0x8d: {  	s2 =	sadd.s32 s2, s18  }
0x8e: {  	[smem:$0x3FC6] =	sst s2  }
0x8f: {  	_ = 	snop  }
0x90: {  	s2 =	sld [smem:$0x3FC9]  }
0x91: {  	s19 =	sld [smem:$0x3FC8]  }
0x92: {  	s4 =	sld [smem:$0x3FD0];
	(tm) =	ssettm $0x1  }
0x93: {  	s5 =	sld [smem:$0x3FFB];
	_ =	sdelay $0x3  }
0x94: {  	_ =	strace s5  }
0x95: {  	s5 =	sld [smem:$0x3FFC];
	_ =	sdelay $0x3  }
0x96: {  	_ =	strace s5  }
0x97: {  	s5 =	sld [smem:$0x3FFD];
	_ =	sdelay $0x3  }
0x98: {  	_ =	strace s5  }
0x99: {  	_ =	strace $0x8FFFFFFF  }
0x9a: {  	s20 =	sld [smem:$0x3FDB];
	_ =	sdelay $0x1  }
0x9b: {  	s6 =	simm.s32 $_scs_section_size  }
0x9c: {  	s7 =	simm.s32 $_size__tile_overlayer_lowered;
	s8 =	simm.s32 $_tile_overlayer_lowered  }
0x9d: {  	s23 =	simm.s32 $0x1BFF;
	s22 =	sshll.u32 s8, $0x1;
	s5 =	sadd.s32 s6, s20  }
0x9e: {  	s9 =	simm.s32 $0x0;
	s21 =	sshll.u32 s7, $0x1;
	s7 =	sadd.s32 s22, s5  }
0x9f: {  	[timem:s9], [sflag:s23] =	dma.local [hbm:s7], s21  }
0xa0: {  	_ =	swait.ge [sflag:s23], s21  }
0xa1: {  	s6 =	ssub.s32 $0x0, s21;
	[sflag:s23] =	ssyncset.done $0x0  }
0xa2: {  	[sflag:s23] =	ssyncadd.s32 s6;
	_ =	sdelay $0x1  }
0xa3: {  	s24 =	simm.s32 $0x1B8B  }
0xa4: {  	_ =	swait.ge [sflag:s24], $0x1  }
0xa5: {  	[sflag:s24] =	ssyncset.done $0x0  }
0xa6: {  	s25 =	simm.s32 $0x1B8E;
	[sflag:s24] =	ssyncadd.s32 $0xFFFFFFFF  }
0xa7: {  	s26 =	simm.s32 $execute0_lowered;
	[smem:$0x3FD2] =	sst s25  }
0xa8: {  	s6 =	sshll.u32 s26, $0x1;
	_ =	strace $0x80000046;
	[dreg:$0x1] =	wrdreg $0xFFFFFFFF  }
0xa9: {  	s28 =	simm.s32 $_size_execute0_lowered;
	s5 =	sadd.s32 s5, s6;
	[dreg:$0x0] =	wrdreg $0x0  }
0xaa: {  	s6 =	sshll.u32 s28, $0x1;
	[dreg:$0x2] =	wrdreg s5  }
0xab: {  	[dreg:$0x3] =	wrdreg s6  }
0xac: {  	[dreg:$0x4] =	wrdreg $0xC0  }
0xad: {  	_ =	task [dreg:s9], $0x5FFFF  }
0xae: {  	[dreg:$0x1] =	wrdreg $0xFFFFFFFF  }
0xaf: {  	[dreg:$0x0] =	wrdreg $0x60  }
0xb0: {  	[dreg:$0x2] =	wrdreg s2  }
0xb1: {  	[dreg:$0x3] =	wrdreg s19  }
0xb2: {  	[dreg:$0x4] =	wrdreg s4  }
0xb3: {  	[dreg:$0x5] =	wrdreg $0x9  }
0xb4: {  	_ =	task.clear_ibuf [dreg:s9], $0x6FFFF;
	_ =	strace $0x90000046  }
0xb5: {  	s29 =	simm.s32 $0x9;
	_ =	strace $0x80000048  }
0xb6: {  	_ =	swait.ge [sflag:s29], $0x1  }
0xb7: {  	[sflag:s29] =	ssyncadd.s32 $0xFFFFFFFF  }
0xb8: {  	_ =	strace $0x90000048  }
0xb9: {  	_ =	sfence  }
0xba: {  	s30 =	sld [smem:$0x0];
	_ =	sdelay $0x2  }
0xbb: {  	s31 =	sshll.u32 s1, $0xD;
	s1 =	sshrl.u32 s1, $0x2  }
0xbc: {  	s3 =	sand.u32 $0x4000, s31;
	s1 =	sadd.s32 s1, s30  }
0xbd: {  	s0 =	sor.u32 s3, s0;
	s1 =	sshll.u32 s1, $0x11  }
0xbe: {  	s0 =	sor.u32 s1, s0  }
0xbf: {  	s0 =	sadd.s32 $0x8F2B, s0  }
0xc0: {  	[sflag:s0] =	ssyncadd.remote.s32 $0x1  }
0xc1: {  	_ =	sfence.sel $0xFFFF  }
0xc2: {  	[dreg:$0x0] =	wrdreg $0xFFFFFFFF;
	(pc) =	sbr.abs _section_cstart, $3  }
0xc3: {  	[dreg:$0x1] =	wrdreg $0xFFFFFFFF  }
0xc4: {  	_ =	task.clear_ibuf [dreg:s9], $0x2FFFF;
	_ =	strace $0x9FFFFFFF  }
0xc5: {  	(tm) =	ssettm $0x7FFFFFFF  }
tec
execute0_lowered:
.L_overlay_start_1:
0x0: {  	(tag) =	ssettag $0x1  }
0x1: {  	s0 =	rddreg [dreg:$0x0]  }
0x2: {  	s1 =	rddreg [dreg:$0x1]  }
0x3: {  	s2 =	rddreg [dreg:$0x2];
	s4 =	srdreg.scid;
	s3 =	simm.s32 $0x0  }
0x4: {  	s9 =	stileid.u32;
	s13 =	simm.s32 $0x1;
	s14 =	simm.s32 $0x80  }
0x5: {  	s15 =	simm.s32 $0x5C00;
	s16 =	simm.s32 $0x100;
	s17 =	simm.s32 $0x9C00  }
0x6: {  	s18 =	simm.s32 $0x180;
	s19 =	simm.s32 $0xDC00;
	s20 =	simm.s32 $0x200  }
0x7: {  	s28 =	simm.s32 $0x7;
	s29 =	simm.s32 $0x8;
	s30 =	simm.s32 $0x9  }
0x8: {  	s31 =	simm.s32 $0xA;
	s4 =	sand.u32 $0x1, s4;
	[smem:$0x7FF] =	sst s3  }
0x9: {  	s7 =	sshll.u32 s9, $0x8;
	s22 =	sshll.u32 s9, $0xF;
	s5 =	ssub.s32 $0x2, s4  }
0xa: {  	s8 =	sshll.u32 s4, $0x7;
	_ =	strace $0x80000047;
	s4 =	sshll.u32 s4, $0xE  }
0xb: {  	s6 =	sshrl.u32 s5, $0x1;
	s21 =	sor.u32 s8, s7;
	s24 =	sor.u32 s4, s22  }
0xc: {  	s22 =	simm.s32 $0x15C00;
	s6 =	ssub.s32 s5, s6;
	s7 =	sshll.u32 s21, $0x4  }
0xd: {  	s23 =	sadd.s32 s0, s21;
	s0 =	sshrl.u32 s24, $0x3;
	s21 =	simm.s32 $0x11C00  }
.Ltmp0:
0xe: {  	[dreg:$0x4] =	wrdreg s23;
	s25 =	sadd.s32 $0x6000, s23;
	(pc) =	sbr.rel .LBB2_1-.Ltmp0, $4  }
0xf: {  	s24 =	simm.s32 $0x3;
	s26 =	smax.u32 s6, $0x1;
	[dreg:$0x5] =	wrdreg s25  }
0x10: {  	s5 =	sadd.s32 s2, s7;
	s0 =	sadd.s32 s0, s2;
	[dreg:$0x6] =	wrdreg s26  }
0x11: {  	s23 =	simm.s32 $0x2;
	s7 =	sadd.s32 $0x310000, s5;
	[dreg:$0x7] =	wrdreg s0  }
0x12: {  	v0 =	vimm.f32 $0.0e+00;
	s25 =	simm.s32 $0x4;
	s26 =	simm.s32 $0x6;
	s0 =	simm.s32 $0x0  }
.LBB2_9:
0x13: {  	_ =	swait.ge [sflag:s26], $0x4000  }
0x14: {  	[sflag:s26] =	ssyncset.done $0x0  }
0x15: {  	[sflag:s26] =	ssyncadd.s32 $0xFFFFC000  }
0x16: {  	_ =	swait.ge [sflag:s28], $0x4000  }
0x17: {  	[sflag:s28] =	ssyncset.done $0x0  }
0x18: {  	[sflag:s28] =	ssyncadd.s32 $0xFFFFC000  }
0x19: {  	_ =	swait.ge [sflag:s29], $0x4000  }
0x1a: {  	[sflag:s29] =	ssyncset.done $0x0  }
0x1b: {  	[sflag:s29] =	ssyncadd.s32 $0xFFFFC000  }
0x1c: {  	_ =	swait.ge [sflag:s30], $0x4000  }
0x1d: {  	[sflag:s30] =	ssyncset.done $0x0  }
0x1e: {  	[sflag:s30] =	ssyncadd.s32 $0xFFFFC000  }
0x1f: {  	_ =	swait.ge [sflag:s31], $0x4000  }
0x20: {  	s0 =	sadd.s32 $0x1, s0;
	s2 =	rddreg [dreg:$0x6]  }
0x21: {  	p0 =	sne.s32 s0, s2  }
.Ltmp1:
0x22: {  	_ = 	snop;
	(pc) =	sbr.rel @!p0 .LBB2_10-.Ltmp1, $3  }
0x23: {  	_ =	sdelay $0x1  }
0x24: {  	[sflag:s31] =	ssyncset.done $0x0  }
0x25: {  	[sflag:s31] =	ssyncadd.s32 $0xFFFFC000  }
.LBB2_1:
0x26: {  	s2 =	rddreg [dreg:$0x4]  }
0x27: {  	s4 =	simm.s32 $0x400;
	s6 =	simm.s32 $0x8000;
	s11 =	rddreg [dreg:$0x5]  }
0x28: {  	[tilespmem:s3], [sflag:$0x1] =	stream.strided.gather [hbm4b:s2+s4], $0x1800, s6, s4, $0x38;
	[tilespmem:$0x19C00] =	vst v63  }
0x29: {  	s12 =	simm.s32 $0x1800;
	s2 =	simm.s32 $0x0;
	s4 =	simm.s32 $0x200  }
0x2a: {  	[tilespmem:s12], [sflag:$0x1] =	stream.linear.gather [hbm4b:s11+s3], $0x100, $0x38;
	[tilespmem:$0x19C00] =	vst v63  }
.LBB2_2:
0x2b: {  	p0 =	sne.s32 s4, $0xFE00;
	[tilespmem:s2+$0x1C70] =	vst v0  }
0x2c: {  	[tilespmem:s2+$0x1C00] =	vst v0  }
0x2d: {  	[tilespmem:s2+$0x1C10] =	vst v0  }
.Ltmp2:
0x2e: {  	[tilespmem:s2+$0x1C20] =	vst v0;
	(pc) =	sbr.rel @p0 .LBB2_2-.Ltmp2, $4  }
0x2f: {  	[tilespmem:s2+$0x1C30] =	vst v0  }
0x30: {  	[tilespmem:s2+$0x1C40] =	vst v0  }
0x31: {  	[tilespmem:s2+$0x1C50] =	vst v0  }
0x32: {  	[tilespmem:s2+$0x1C60] =	vst v0;
	s2 =	sshra.s32 s4, $0x2;
	s4 =	sadd.s32 $0x200, s4  }
0x33: {  	[tilespmem:s2+$0x1C70] =	vst v0  }
0x34: {  	[tilespmem:s2+$0x1C00] =	vst v0  }
0x35: {  	[tilespmem:s2+$0x1C10] =	vst v0  }
0x36: {  	[tilespmem:s2+$0x1C20] =	vst v0  }
0x37: {  	[tilespmem:s2+$0x1C30] =	vst v0  }
0x38: {  	[tilespmem:s2+$0x1C40] =	vst v0  }
.Ltmp3:
0x39: {  	[tilespmem:s2+$0x1C50] =	vst v0;
	(pc) =	sbr.rel .LBB2_4-.Ltmp3, $4  }
0x3a: {  	[tilespmem:s2+$0x1C60] =	vst v0  }
0x3b: {  	_ =	swait.ge [sflag:s13], $0x1900  }
0x3c: {  	s2 =	simm.s32 $0x4;
	[sflag:s13] =	ssyncset.done $0x0  }
0x3d: {  	s10 =	simm.s32 $0x0;
	s9 =	rddreg [dreg:$0x7];
	[sflag:s13] =	ssyncadd.s32 $0xFFFFE700  }
.LBB2_5:
0x3e: {  	[tilespmem:s15], [sflag:$0x1] =	stream.indirect.gather [hbm4b:s1+s14], $0x80, s14, s14, $0xb8;
	[tilespmem:$0x19C00] =	vst v63  }
0x3f: {  	_ = 	snop  }
0x40: {  	[tilespmem:s17], [sflag:$0x2] =	stream.indirect.gather [hbm4b:s1+s14], $0x80, s16, s14, $0xb8;
	[tilespmem:$0x19C00] =	vst v63  }
0x41: {  	s12 =	simm.s32 $0x4;
	s8 =	simm.s32 $0x2  }
0x42: {  	[tilespmem:s19], [sflag:$0x3] =	stream.indirect.gather [hbm4b:s1+s14], $0x80, s18, s14, $0xb8;
	[tilespmem:$0x19C00] =	vst v63  }
0x43: {  	s11 =	simm.s32 $0x0;
	s4 =	simm.s32 $0x1;
	s6 =	simm.s32 $0x3  }
0x44: {  	[tilespmem:s21], [sflag:$0x4] =	stream.indirect.gather [hbm4b:s1+s14], $0x80, s20, s14, $0xb8;
	[tilespmem:$0x19C00] =	vst v63  }
.LBB2_7:
0x45: {  	s11 =	sshra.s32 s11, $0x2  }
0x46: {  	p0 =	por $0x0, $0x0;
	s11 =	sadd.s32 $0x280, s11  }
0x47: {  	[tilespmem:s22], [sflag:$0x5] =	stream.indirect.gather [hbm4b:s1+s14], $0x80, s11, s14, $0xb8;
	[tilespmem:$0x19C00] =	vst v63  }
.LBB2_8:
0x48: {  	_ =	swait.ge [sflag:s13], $0x4000  }
0x49: {  	[sflag:s13] =	ssyncset.done $0x0  }
0x4a: {  	[sflag:s13] =	ssyncadd.s32 $0xFFFFC000  }
0x4b: {  	[hbm4b:s9+s3] =	stream.linear.scatter [tilespmem:s15], [sflag:$0x6], $0x4000, $0x38;
	[tilespmem:$0x19C00] =	vst v63  }
0x4c: {  	_ =	swait.ge [sflag:s23], $0x4000  }
0x4d: {  	s4 =	sshll.u32 s4, $0x10;
	[sflag:s23] =	ssyncset.done $0x0  }
0x4e: {  	s4 =	sadd.s32 s4, s5;
	[sflag:s23] =	ssyncadd.s32 $0xFFFFC000  }
0x4f: {  	[hbm4b:s4+s3] =	stream.linear.scatter [tilespmem:s17], [sflag:$0x7], $0x4000, $0x38;
	[tilespmem:$0x19C00] =	vst v63  }
0x50: {  	_ =	swait.ge [sflag:s24], $0x4000  }
0x51: {  	s8 =	sshll.u32 s8, $0x10;
	[sflag:s24] =	ssyncset.done $0x0  }
0x52: {  	s4 =	sadd.s32 s8, s5;
	[sflag:s24] =	ssyncadd.s32 $0xFFFFC000  }
0x53: {  	[hbm4b:s4+s3] =	stream.linear.scatter [tilespmem:s19], [sflag:$0x8], $0x4000, $0x38;
	[tilespmem:$0x19C00] =	vst v63  }
0x54: {  	_ =	swait.ge [sflag:s25], $0x4000  }
0x55: {  	s11 =	sshll.u32 s6, $0x10;
	[sflag:s25] =	ssyncset.done $0x0  }
0x56: {  	s4 =	sadd.s32 s11, s5;
	[sflag:s25] =	ssyncadd.s32 $0xFFFFC000  }
0x57: {  	[hbm4b:s4+s3] =	stream.linear.scatter [tilespmem:s21], [sflag:$0x9], $0x4000, $0x38;
	[tilespmem:$0x19C00] =	vst v63  }
0x58: {  	s4 =	simm.s32 @!p0 $0x5  }
0x59: {  	_ =	swait.ge @!p0 [sflag:s4], $0x4000  }
0x5a: {  	[sflag:s4] =	ssyncset.done @!p0 $0x0  }
0x5b: {  	[sflag:s4] =	ssyncadd.s32 @!p0 $0xFFFFC000;
	s4 =	sshll.u32 @!p0 s12, $0x10  }
0x5c: {  	s6 =	simm.s32 @!p0 $0x0;
	s8 =	simm.s32 @!p0 $0x15C00;
	s4 =	sadd.s32 @!p0 s4, s5  }
0x5d: {  	[hbm4b:s4+s6] =	stream.linear.scatter @!p0 [tilespmem:s8], [sflag:$0xA], $0x4000, $0x38;
	[tilespmem:$0x19C00] =	vst v63  }
0x5e: {  	p0 =	sne.s32 s12, $0x31  }
0x5f: {  	s10 =	sadd.s32 $0xA00, s10;
	s4 =	simm.s32 @!p0 $0x0;
	s6 =	simm.s32 @!p0 $0x1C00  }
0x60: {  	[hbm4b:s7+s4] =	stream.linear.scatter @!p0 [tilespmem:s6], [sflag:$0xA], $0x4000, $0x38;
	[tilespmem:$0x19C00] =	vst v63  }
0x61: {  	p0 =	sne.s32 s10, $0x6400  }
.Ltmp4:
0x62: {  	_ = 	snop;
	(pc) =	sbr.rel @!p0 .LBB2_9-.Ltmp4, $2  }
0x63: {  	_ =	sdelay $0x2  }
0x64: {  	s2 =	sadd.s32 $0x5, s2;
	s9 =	sadd.s32 $0x50000, s9  }
.LBB2_4:
0x65: {  	p0 =	sne.s32 s10, $0x0  }
.Ltmp5:
0x66: {  	_ = 	snop;
	(pc) =	sbr.rel @!p0 .LBB2_5-.Ltmp5, $1  }
0x67: {  	_ =	sdelay $0x3  }
0x68: {  	_ =	swait.ge [sflag:s26], $0x4000  }
0x69: {  	s4 =	sshra.s32 s10, $0x2;
	[sflag:s26] =	ssyncset.done $0x0  }
0x6a: {  	s6 =	sadd.s32 $0x80, s4;
	[sflag:s26] =	ssyncadd.s32 $0xFFFFC000  }
0x6b: {  	[tilespmem:s15], [sflag:$0x1] =	stream.indirect.gather [hbm4b:s1+s14], $0x80, s6, s14, $0xb8;
	[tilespmem:$0x19C00] =	vst v63  }
0x6c: {  	_ =	swait.ge [sflag:s28], $0x4000  }
0x6d: {  	[sflag:s28] =	ssyncset.done $0x0  }
0x6e: {  	s11 =	sadd.s32 $0x100, s4;
	[sflag:s28] =	ssyncadd.s32 $0xFFFFC000  }
0x6f: {  	[tilespmem:s17], [sflag:$0x2] =	stream.indirect.gather [hbm4b:s1+s14], $0x80, s11, s14, $0xb8;
	[tilespmem:$0x19C00] =	vst v63  }
0x70: {  	_ =	swait.ge [sflag:s29], $0x4000  }
0x71: {  	[sflag:s29] =	ssyncset.done $0x0  }
0x72: {  	s12 =	sadd.s32 $0x180, s4;
	[sflag:s29] =	ssyncadd.s32 $0xFFFFC000  }
0x73: {  	[tilespmem:s19], [sflag:$0x3] =	stream.indirect.gather [hbm4b:s1+s14], $0x80, s12, s14, $0xb8;
	[tilespmem:$0x19C00] =	vst v63  }
0x74: {  	_ =	swait.ge [sflag:s30], $0x4000  }
0x75: {  	[sflag:s30] =	ssyncset.done $0x0  }
0x76: {  	p1 =	seq.s32 s10, $0x5A00;
	s4 =	sadd.s32 $0x200, s4;
	[sflag:s30] =	ssyncadd.s32 $0xFFFFC000  }
0x77: {  	[tilespmem:s21], [sflag:$0x4] =	stream.indirect.gather [hbm4b:s1+s14], $0x80, s4, s14, $0xb8;
	[tilespmem:$0x19C00] =	vst v63  }
.Ltmp6:
0x78: {  	_ = 	snop;
	(pc) =	sbr.rel @p1 .LBB2_8-.Ltmp6, $4  }
.Ltmp7:
0x79: {  	_ = 	snop;
	(pc) =	sbr.rel @!p1 .LBB2_7-.Ltmp7, $4  }
0x7a: {  	s8 =	sadd.s32 $0xFFFFFFFE, s2;
	p0 =	por $0x1, $0x1;
	_ =	swait.ge [sflag:s31], $0x4000  }
0x7b: {  	s6 =	sadd.s32 $0xFFFFFFFF, s2;
	s11 =	smov.u32 s10;
	[sflag:s31] =	ssyncset.done $0x0  }
0x7c: {  	s12 =	smov.u32 s2;
	s4 =	sadd.s32 $0xFFFFFFFD, s2;
	[sflag:s31] =	ssyncadd.s32 $0xFFFFC000  }
0x7d: {  	_ = 	snop  }
.LBB2_10:
0x7e: {  	_ =	sfence.sel $0x180000  }
0x7f: {  	[bflag:$0x0] =	sbarrier.arrive $0xFFFF  }
0x80: {  	_ =	strace $0x90000047  }
0x81: {  	s0 =	stileid.u32;
	[bflag:$0x2] =	sbarrier.arrive $0xFFFF  }
0x82: {  	p0 =	sne.s32 s0, $0x0;
	s0 =	rddreg [dreg:$0x3]  }
0x83: {  	s0 =	sadd.s32 @!p0 $0x100000, s0  }
0x84: {  	[sflag:s0] =	ssyncadd.tile.s32 @!p0 $0x1;
	_ =	shalt  }
.Lfunc_end2:
_tile_overlayer_lowered:
.L_overlay_start_2:
0x85: {  	(tag) =	ssettag $0x2  }
0x86: {  	s0 =	rddreg [dreg:$0x0];
	s2 =	stileid.u32  }
0x87: {  	s1 =	rddreg [dreg:$0x1];
	p0 =	sne.s32 s2, $0x0  }
0x88: {  	s3 =	rddreg [dreg:$0x2];
	[bflag:$0x3] =	sbarrier.arrive $0xFFFF;
	s2 =	simm.s32 @!p0 $0x1C0B  }
0x89: {  	[timem:s3], [sflag:s2] =	dma.local @!p0 [hbm:s0], s1  }
0x8a: {  	s0 =	simm.s32 @!p0 $0xB  }
0x8b: {  	_ =	swait.ge @!p0 [sflag:s0], s1  }
0x8c: {  	s1 =	ssub.s32 @!p0 $0x0, s1;
	[sflag:s0] =	ssyncset.done @!p0 $0x0  }
0x8d: {  	[sflag:s0] =	ssyncadd.s32 @!p0 s1  }
0x8e: {  	[bflag:$0x3] =	sbarrier.arrive $0xFFFF  }
0x8f: {  	_ =	shalt  }

</sc_bundles>
